<compile_context>
chip_gen: v7x
topology: tpu7x:2x2x1
jax: 0.10.2.dev20260603
libtpu: 0.0.44.dev20260713+nightly
codegen_flags: <defaults>
</compile_context>

<pallas_src>
import functools

import jax
import jax.numpy as jnp
from jax import lax
from jax.experimental import pallas as pl
from jax.experimental.pallas import tpu as pltpu
from jax.experimental.pallas import tpu_sc as plsc

N_NODES = 10000
N_EDGES = 160000
N_IDX = 2 * N_EDGES
NPAD = 10240
ROWS = NPAD // 128

_SC_MESH = plsc.VectorSubcoreMesh(core_axis_name="c", subcore_axis_name="s")
CBLK = 39 * 128
SLICE = NPAD // 16


@functools.partial(
    pl.kernel,
    mesh=_SC_MESH,
    out_type=jax.ShapeDtypeStruct((2, 8, NPAD), jnp.float32),
    scratch_types=[
        pltpu.VMEM((2, CBLK), jnp.int32),
        pltpu.VMEM((2, 128), jnp.int32),
        pltpu.VMEM((NPAD,), jnp.float32),
        pltpu.VMEM((SLICE,), jnp.float32),
        pltpu.VMEM((SLICE,), jnp.float32),
        pltpu.VMEM_SHARED((16, NPAD), jnp.float32),
        pltpu.SemaphoreType.DMA,
    ],
    compiler_params=pltpu.CompilerParams(needs_layout_passes=False),
)
def _sc_histogram(idx_hbm, t_hbm, idx_v, ext_v, hist_v, acc_v, buf_v, shared, sem):
    c = lax.axis_index("c")
    s = lax.axis_index("s")
    w = c * 16 + s
    ones = jnp.ones((16,), jnp.float32)
    zeros16 = jnp.zeros((16,), jnp.float32)

    cp = pltpu.async_copy(idx_hbm.at[:, pl.ds(w * CBLK, CBLK)], idx_v, sem)

    @pl.when(w < 2)
    def _():
        pltpu.sync_copy(idx_hbm.at[:, pl.ds((1248 + w) * 128, 128)], ext_v)

    def zero_body(i, _):
        hist_v[pl.ds(i * 16, 16)] = zeros16
        return 0
    lax.fori_loop(0, NPAD // 16, zero_body, 0, unroll=8)
    cp.wait()

    for r in range(2):
        def hist_body(i, _):
            vals = idx_v[r, pl.ds(i * 16, 16)]
            plsc.addupdate_scatter(hist_v, [vals], ones)
            return 0
        lax.fori_loop(0, CBLK // 16, hist_body, 0, unroll=4)

    @pl.when(w < 2)
    def _():
        for r in range(2):
            def ext_body(i, _):
                vals = ext_v[r, pl.ds(i * 16, 16)]
                plsc.addupdate_scatter(hist_v, [vals], ones)
                return 0
            lax.fori_loop(0, 8, ext_body, 0, unroll=4)

    pltpu.sync_copy(hist_v, shared.at[s])
    plsc.subcore_barrier()

    def acc_init(i, _):
        acc_v[pl.ds(i * 16, 16)] = zeros16
        return 0
    lax.fori_loop(0, SLICE // 16, acc_init, 0, unroll=8)

    def comb_body(t, _):
        pltpu.sync_copy(shared.at[t, pl.ds(s * SLICE, SLICE)], buf_v)

        def add_body(j, _):
            acc_v[pl.ds(j * 16, 16)] = acc_v[pl.ds(j * 16, 16)] + buf_v[pl.ds(j * 16, 16)]
            return 0
        lax.fori_loop(0, SLICE // 16, add_body, 0, unroll=8)
        return 0
    lax.fori_loop(0, 16, comb_body, 0)

    pltpu.sync_copy(acc_v, t_hbm.at[c, 0, pl.ds(s * SLICE, SLICE)])


def _dotT(a, b, precision=lax.Precision.HIGHEST):
    return lax.dot_general(a, b, (((0,), (0,)), ((), ())),
                           precision=precision,
                           preferred_element_type=jnp.float32)


def _tc_body(x_ref, w1r_ref, w1o_ref, b1_ref, w2r_ref, w2o_ref, b2_ref,
             wc_ref, bc_ref, ta_ref, tb_ref, out_ref):
    relu = lambda a: jnp.maximum(a, 0.0)

    x = x_ref[...]
    w2o = w2o_ref[...]
    b1c = jnp.transpose(b1_ref[...])
    b2c = jnp.transpose(b2_ref[...])
    uT = _dotT(w1r_ref[...], jnp.transpose(x))
    vT = b1c + _dotT(w1o_ref[...], jnp.transpose(x))
    rvT = relu(vT)
    pT = _dotT(w2r_ref[...], rvT)

    t_wide = ta_ref[0, 0:1, :] + tb_ref[0, 0:1, :]

    node = lax.broadcasted_iota(jnp.int32, (1, NPAD), 1)
    mask = (node < N_NODES).astype(jnp.float32)

    y2 = relu(uT[:, 0:1] * t_wide + vT[:, 2:3])
    y3 = relu(uT[:, 1:2] * t_wide + vT[:, 3:4])
    z2 = relu(pT[:, 0:1] * t_wide + b2c + _dotT(w2o, y2)) * mask
    z3 = relu(pT[:, 1:2] * t_wide + b2c + _dotT(w2o, y3)) * mask

    s23 = jnp.concatenate(
        [jnp.sum(z2, axis=1, keepdims=True), jnp.sum(z3, axis=1, keepdims=True)],
        axis=1) * (1.0 / N_NODES)
    g01 = relu(b2c + _dotT(w2o, rvT[:, 0:2]))
    g = jnp.concatenate([g01, s23], axis=1)
    out_ref[...] = _dotT(g, wc_ref[...]) + bc_ref[...]


def _tc_head(x, W1_rel, W1_root, b1, W2_rel, W2_root, b2, Wc, bc, t2):
    full = lambda shape: pl.BlockSpec(shape, lambda k: (0, 0))
    return pl.pallas_call(
        _tc_body,
        grid=(1,),
        in_specs=[
            full((4, 128)), full((128, 64)), full((128, 64)), full((1, 64)),
            full((64, 64)), full((64, 64)), full((1, 64)),
            full((64, 2)), full((1, 2)),
            pl.BlockSpec((1, 8, NPAD), lambda k: (0, 0, 0)),
            pl.BlockSpec((1, 8, NPAD), lambda k: (1, 0, 0)),
        ],
        out_specs=full((4, 2)),
        out_shape=jax.ShapeDtypeStruct((4, 2), jnp.float32),
    )(x, W1_rel, W1_root, b1, W2_rel, W2_root, b2, Wc, bc, t2, t2)


def kernel(x, edge_index, W1_rel, W1_root, b1, W2_rel, W2_root, b2, Wc, bc):
    t2 = _sc_histogram(edge_index)
    return _tc_head(x, W1_rel, W1_root, b1.reshape(1, 64), W2_rel, W2_root,
                    b2.reshape(1, 64), Wc, bc.reshape(1, 2), t2)

# --- scband reference (transcript-rebuilt; emitter-appended) ---
"""Pipeline reference for scband-log-gd-33337536152245 (READ-ONLY COPY).

The authoritative reference and input builder live on the scoring server;
editing this copy changes nothing except your own understanding.
"""

import jax, jax.numpy as jnp
import numpy as np

NUM_NODES = 10000
NUM_EDGES = 160000
BATCH = 4
IN_CH = 128
HID = 64
OUT = 2


def setup_inputs(seed: int = 0) -> dict:
    key = jax.random.key(seed)
    ks = jax.random.split(key, 8)
    x = jax.random.normal(ks[0], (BATCH, IN_CH), dtype=jnp.float32)
    edge_index = jax.random.randint(ks[1], (2, NUM_EDGES), 0, NUM_NODES, dtype=jnp.int32)
    W1_rel = jax.random.normal(ks[2], (IN_CH, HID), dtype=jnp.float32) * 0.05
    W1_root = jax.random.normal(ks[3], (IN_CH, HID), dtype=jnp.float32) * 0.05
    b1 = jnp.zeros((HID,), dtype=jnp.float32)
    W2_rel = jax.random.normal(ks[4], (HID, HID), dtype=jnp.float32) * 0.05
    W2_root = jax.random.normal(ks[5], (HID, HID), dtype=jnp.float32) * 0.05
    b2 = jnp.zeros((HID,), dtype=jnp.float32)
    Wc = jax.random.normal(ks[6], (HID, OUT), dtype=jnp.float32) * 0.05
    bc = jnp.zeros((OUT,), dtype=jnp.float32)
    return {"x": x, "edge_index": edge_index, "W1_rel": W1_rel, "W1_root": W1_root, "b1": b1,
            "W2_rel": W2_rel, "W2_root": W2_root, "b2": b2, "Wc": Wc, "bc": bc}


def _repeat_graph(x, edge_index):
    # faithful to LogGD._repeat_graph, including the [B,2,E] -> (2, B*E) reshape
    bsz = x.shape[0]
    x_rep = jnp.broadcast_to(x[:, None, :], (bsz, NUM_NODES, x.shape[1])).reshape(-1, x.shape[1])
    offset = (jnp.arange(bsz, dtype=edge_index.dtype) * NUM_NODES).reshape(bsz, 1, 1)
    edge = (edge_index[None, :, :] + offset).reshape(2, -1)
    return x_rep, edge


def _graph_conv(h, src, dst, n, W_rel, W_root, b):
    # PyG GraphConv (aggr='add'): lin_rel(sum_{j in N(i)} x_j) + lin_root(x_i); bias only on lin_rel
    msgs = h[src]
    agg = jax.ops.segment_sum(msgs, dst, num_segments=n)
    return agg @ W_rel + b + h @ W_root


def reference(x, edge_index, W1_rel, W1_root, b1, W2_rel, W2_root, b2, Wc, bc):
    x_rep, edge = _repeat_graph(x, edge_index)
    src, dst = edge[0], edge[1]
    n = x_rep.shape[0]
    h = jax.nn.relu(_graph_conv(x_rep, src, dst, n, W1_rel, W1_root, b1))
    h = jax.nn.relu(_graph_conv(h, src, dst, n, W2_rel, W2_root, b2))
    g = h.reshape(x.shape[0], NUM_NODES, -1).mean(axis=1)
    return g @ Wc + bc

if __name__ == "__main__":
    import jax
    _d = setup_inputs()
    print(jax.jit(kernel)(*tuple(_d.values())))

</pallas_src>

<mosaic_0001>
#map = affine_map<(d0, d1) -> (0, 0)>
#map1 = affine_map<(d0, d1) -> (0, 0, 0)>
module attributes {stable_mosaic.version = 14 : i64} {
  func.func @_sc_histogram(%arg0: i32, %arg1: i32, %arg2: memref<2x160000xi32, #tpu.memory_space<hbm>>, %arg3: memref<2x8x10240xf32, #tpu.memory_space<hbm>>, %arg4: memref<2x4992xi32, #tpu.memory_space<vmem>>, %arg5: memref<2x128xi32, #tpu.memory_space<vmem>>, %arg6: memref<10240xf32, #tpu.memory_space<vmem>>, %arg7: memref<640xf32, #tpu.memory_space<vmem>>, %arg8: memref<640xf32, #tpu.memory_space<vmem>>, %arg9: memref<16x10240xf32, #tpu.memory_space<vmem_shared>>, %arg10: memref<!tpu.dma_semaphore, #tpu.memory_space<semaphore_mem>>) attributes {dimension_semantics = [#tpu.dimension_semantics<core_parallel>, #tpu.dimension_semantics<subcore_parallel>], iteration_bounds = array<i64: 2, 16>, scalar_prefetch = 0 : i64, scratch_operands = 7 : i64, tpu.core_type = #tpu.core_type<sc_vector_subcore>, window_params = [{transform_indices = #map}, {transform_indices = #map1}]} {
    %mul3A = arith.constant 16 : i32
    %mul3A_0 = arith.muli %arg0, %mul3A : i32
    %add3A = arith.addi %mul3A_0, %arg1 : i32
    %broadcast_in_dim3A = arith.constant 1.000000e+00 : f32
    %broadcast_in_dim3A_1 = vector.broadcast %broadcast_in_dim3A : f32 to vector<16xf32>
    %broadcast_in_dim3A_2 = arith.constant 0.000000e+00 : f32
    %broadcast_in_dim3A_3 = vector.broadcast %broadcast_in_dim3A_2 : f32 to vector<16xf32>
    %mul3A_4 = arith.constant 4992 : i32
    %mul3A_5 = arith.muli %add3A, %mul3A_4 : i32
    %dma_start3A = arith.constant 0 : i32
    %dma_start3A_6 = tpu.memref_slice %arg2[%dma_start3A, %mul3A_5] : memref<2x160000xi32, #tpu.memory_space<hbm>> -> memref<2x4992xi32, #tpu.memory_space<hbm>>
    %dma_start3A_7 = arith.constant 0 : i32
    %dma_start3A_8 = tpu.memref_slice %arg2[%dma_start3A_7, %mul3A_5] : memref<2x160000xi32, #tpu.memory_space<hbm>> -> memref<2x4992xi32, #tpu.memory_space<hbm>>
    tpu.enqueue_dma source(%dma_start3A_8 : memref<2x4992xi32, #tpu.memory_space<hbm>>) target(%arg4 : memref<2x4992xi32, #tpu.memory_space<vmem>>) target_semaphore(%arg10 : memref<!tpu.dma_semaphore, #tpu.memory_space<semaphore_mem>>)
    %lt3A = arith.constant 2 : i32
    %lt3A_9 = arith.cmpi slt, %add3A, %lt3A : i32
    %convert_element_type3A = arith.extui %lt3A_9 : i1 to i32
    %cond3A = arith.constant 0 : i32
    %cond3A_10 = arith.cmpi ne, %convert_element_type3A, %cond3A : i32
    scf.if %cond3A_10 {
      %add3A_55 = arith.constant 1248 : i32
      %add3A_56 = arith.addi %add3A_55, %add3A : i32
      %mul3A_57 = arith.constant 128 : i32
      %mul3A_58 = arith.muli %add3A_56, %mul3A_57 : i32
      "tpu.region"() ({
        %run_scoped3A_59 = tpu.sem_alloc : memref<!tpu.dma_semaphore, #tpu.memory_space<semaphore_mem>>
        %dma_start3A_60 = arith.constant 0 : i32
        %dma_start3A_61 = tpu.memref_slice %arg2[%dma_start3A_60, %mul3A_58] : memref<2x160000xi32, #tpu.memory_space<hbm>> -> memref<2x128xi32, #tpu.memory_space<hbm>>
        %dma_start3A_62 = arith.constant 0 : i32
        %dma_start3A_63 = tpu.memref_slice %arg2[%dma_start3A_62, %mul3A_58] : memref<2x160000xi32, #tpu.memory_space<hbm>> -> memref<2x128xi32, #tpu.memory_space<hbm>>
        tpu.enqueue_dma source(%dma_start3A_63 : memref<2x128xi32, #tpu.memory_space<hbm>>) target(%arg5 : memref<2x128xi32, #tpu.memory_space<vmem>>) target_semaphore(%run_scoped3A_59 : memref<!tpu.dma_semaphore, #tpu.memory_space<semaphore_mem>>)
        %dma_wait3A_64 = arith.constant 0 : i32
        %dma_wait3A_65 = tpu.memref_slice %arg2[%dma_wait3A_64, %mul3A_58] : memref<2x160000xi32, #tpu.memory_space<hbm>> -> memref<2x128xi32, #tpu.memory_space<hbm>>
        %dma_wait3A_66 = arith.constant 0 : i32
        %dma_wait3A_67 = tpu.memref_slice %arg2[%dma_wait3A_66, %mul3A_58] : memref<2x160000xi32, #tpu.memory_space<hbm>> -> memref<2x128xi32, #tpu.memory_space<hbm>>
        tpu.wait_dma2 semaphore(%run_scoped3A_59 : memref<!tpu.dma_semaphore, #tpu.memory_space<semaphore_mem>>) src(%dma_wait3A_67 : memref<2x128xi32, #tpu.memory_space<hbm>>) dst(%arg5 : memref<2x128xi32, #tpu.memory_space<vmem>>)
        tpu.yield
      }) : () -> ()
    } else {
    }
    %scan3A = arith.constant 0 : i32
    %scan3A_11 = arith.constant 0 : i32
    %scan3A_12 = arith.constant 640 : i32
    %scan3A_13 = arith.addi %scan3A_11, %scan3A_12 : i32
    %scan3A_14 = arith.constant 8 : i32
    %scan3A_15 = scf.for %scan3A_55 = %scan3A_11 to %scan3A_13 step %scan3A_14 iter_args(%scan3A_56 = %scan3A) -> (i32)  : i32 {
      %mul3A_57 = arith.constant 16 : i32
      %mul3A_58 = arith.muli %scan3A_55, %mul3A_57 : i32
      %swap3A = arith.index_cast %mul3A_58 : i32 to index
      %swap3A_59 = tpu.vector_load %arg6[%swap3A] {strides = array<i32>} : memref<10240xf32, #tpu.memory_space<vmem>>, vector<16xf32>,
      tpu.vector_store %arg6[%swap3A], %broadcast_in_dim3A_3 {strides = array<i32>} : memref<10240xf32, #tpu.memory_space<vmem>>, vector<16xf32>,
      %scan3A_60 = arith.constant 0 : i32
      %scan3A_61 = arith.constant 1 : i32
      %scan3A_62 = arith.addi %scan3A_55, %scan3A_61 : i32
      %mul3A_63 = arith.constant 16 : i32
      %mul3A_64 = arith.muli %scan3A_62, %mul3A_63 : i32
      %swap3A_65 = arith.index_cast %mul3A_64 : i32 to index
      %swap3A_66 = tpu.vector_load %arg6[%swap3A_65] {strides = array<i32>} : memref<10240xf32, #tpu.memory_space<vmem>>, vector<16xf32>,
      tpu.vector_store %arg6[%swap3A_65], %broadcast_in_dim3A_3 {strides = array<i32>} : memref<10240xf32, #tpu.memory_space<vmem>>, vector<16xf32>,
      %scan3A_67 = arith.constant 0 : i32
      %scan3A_68 = arith.constant 2 : i32
      %scan3A_69 = arith.addi %scan3A_55, %scan3A_68 : i32
      %mul3A_70 = arith.constant 16 : i32
      %mul3A_71 = arith.muli %scan3A_69, %mul3A_70 : i32
      %swap3A_72 = arith.index_cast %mul3A_71 : i32 to index
      %swap3A_73 = tpu.vector_load %arg6[%swap3A_72] {strides = array<i32>} : memref<10240xf32, #tpu.memory_space<vmem>>, vector<16xf32>,
      tpu.vector_store %arg6[%swap3A_72], %broadcast_in_dim3A_3 {strides = array<i32>} : memref<10240xf32, #tpu.memory_space<vmem>>, vector<16xf32>,
      %scan3A_74 = arith.constant 0 : i32
      %scan3A_75 = arith.constant 3 : i32
      %scan3A_76 = arith.addi %scan3A_55, %scan3A_75 : i32
      %mul3A_77 = arith.constant 16 : i32
      %mul3A_78 = arith.muli %scan3A_76, %mul3A_77 : i32
      %swap3A_79 = arith.index_cast %mul3A_78 : i32 to index
      %swap3A_80 = tpu.vector_load %arg6[%swap3A_79] {strides = array<i32>} : memref<10240xf32, #tpu.memory_space<vmem>>, vector<16xf32>,
      tpu.vector_store %arg6[%swap3A_79], %broadcast_in_dim3A_3 {strides = array<i32>} : memref<10240xf32, #tpu.memory_space<vmem>>, vector<16xf32>,
      %scan3A_81 = arith.constant 0 : i32
      %scan3A_82 = arith.constant 4 : i32
      %scan3A_83 = arith.addi %scan3A_55, %scan3A_82 : i32
      %mul3A_84 = arith.constant 16 : i32
      %mul3A_85 = arith.muli %scan3A_83, %mul3A_84 : i32
      %swap3A_86 = arith.index_cast %mul3A_85 : i32 to index
      %swap3A_87 = tpu.vector_load %arg6[%swap3A_86] {strides = array<i32>} : memref<10240xf32, #tpu.memory_space<vmem>>, vector<16xf32>,
      tpu.vector_store %arg6[%swap3A_86], %broadcast_in_dim3A_3 {strides = array<i32>} : memref<10240xf32, #tpu.memory_space<vmem>>, vector<16xf32>,
      %scan3A_88 = arith.constant 0 : i32
      %scan3A_89 = arith.constant 5 : i32
      %scan3A_90 = arith.addi %scan3A_55, %scan3A_89 : i32
      %mul3A_91 = arith.constant 16 : i32
      %mul3A_92 = arith.muli %scan3A_90, %mul3A_91 : i32
      %swap3A_93 = arith.index_cast %mul3A_92 : i32 to index
      %swap3A_94 = tpu.vector_load %arg6[%swap3A_93] {strides = array<i32>} : memref<10240xf32, #tpu.memory_space<vmem>>, vector<16xf32>,
      tpu.vector_store %arg6[%swap3A_93], %broadcast_in_dim3A_3 {strides = array<i32>} : memref<10240xf32, #tpu.memory_space<vmem>>, vector<16xf32>,
      %scan3A_95 = arith.constant 0 : i32
      %scan3A_96 = arith.constant 6 : i32
      %scan3A_97 = arith.addi %scan3A_55, %scan3A_96 : i32
      %mul3A_98 = arith.constant 16 : i32
      %mul3A_99 = arith.muli %scan3A_97, %mul3A_98 : i32
      %swap3A_100 = arith.index_cast %mul3A_99 : i32 to index
      %swap3A_101 = tpu.vector_load %arg6[%swap3A_100] {strides = array<i32>} : memref<10240xf32, #tpu.memory_space<vmem>>, vector<16xf32>,
      tpu.vector_store %arg6[%swap3A_100], %broadcast_in_dim3A_3 {strides = array<i32>} : memref<10240xf32, #tpu.memory_space<vmem>>, vector<16xf32>,
      %scan3A_102 = arith.constant 0 : i32
      %scan3A_103 = arith.constant 7 : i32
      %scan3A_104 = arith.addi %scan3A_55, %scan3A_103 : i32
      %mul3A_105 = arith.constant 16 : i32
      %mul3A_106 = arith.muli %scan3A_104, %mul3A_105 : i32
      %swap3A_107 = arith.index_cast %mul3A_106 : i32 to index
      %swap3A_108 = tpu.vector_load %arg6[%swap3A_107] {strides = array<i32>} : memref<10240xf32, #tpu.memory_space<vmem>>, vector<16xf32>,
      tpu.vector_store %arg6[%swap3A_107], %broadcast_in_dim3A_3 {strides = array<i32>} : memref<10240xf32, #tpu.memory_space<vmem>>, vector<16xf32>,
      %scan3A_109 = arith.constant 0 : i32
      scf.yield %scan3A_109 : i32
    }
    %scan3A_16 = arith.constant 640 : i32
    %dma_wait3A = arith.constant 0 : i32
    %dma_wait3A_17 = tpu.memref_slice %arg2[%dma_wait3A, %mul3A_5] : memref<2x160000xi32, #tpu.memory_space<hbm>> -> memref<2x4992xi32, #tpu.memory_space<hbm>>
    %dma_wait3A_18 = arith.constant 0 : i32
    %dma_wait3A_19 = tpu.memref_slice %arg2[%dma_wait3A_18, %mul3A_5] : memref<2x160000xi32, #tpu.memory_space<hbm>> -> memref<2x4992xi32, #tpu.memory_space<hbm>>
    tpu.wait_dma2 semaphore(%arg10 : memref<!tpu.dma_semaphore, #tpu.memory_space<semaphore_mem>>) src(%dma_wait3A_19 : memref<2x4992xi32, #tpu.memory_space<hbm>>) dst(%arg4 : memref<2x4992xi32, #tpu.memory_space<vmem>>)
    %scan3A_20 = arith.constant 0 : i32
    %scan3A_21 = arith.constant 0 : i32
    %scan3A_22 = arith.constant 312 : i32
    %scan3A_23 = arith.addi %scan3A_21, %scan3A_22 : i32
    %scan3A_24 = arith.constant 4 : i32
    %scan3A_25 = scf.for %scan3A_55 = %scan3A_21 to %scan3A_23 step %scan3A_24 iter_args(%scan3A_56 = %scan3A_20) -> (i32)  : i32 {
      %mul3A_57 = arith.constant 16 : i32
      %mul3A_58 = arith.muli %scan3A_55, %mul3A_57 : i32
      %get3A = arith.constant 0 : i32
      %get3A_59 = arith.index_cast %get3A : i32 to index
      %get3A_60 = arith.index_cast %mul3A_58 : i32 to index
      %get3A_61 = tpu.vector_load %arg4[%get3A_59, %get3A_60] {strides = array<i32>} : memref<2x4992xi32, #tpu.memory_space<vmem>>, vector<16xi32>,
      tpu.vector_store_idx %arg6[%get3A_61], %broadcast_in_dim3A_1 {add = true} : memref<10240xf32, #tpu.memory_space<vmem>>[vector<16xi32>], vector<16xf32>,
      %scan3A_62 = arith.constant 0 : i32
      %scan3A_63 = arith.constant 1 : i32
      %scan3A_64 = arith.addi %scan3A_55, %scan3A_63 : i32
      %mul3A_65 = arith.constant 16 : i32
      %mul3A_66 = arith.muli %scan3A_64, %mul3A_65 : i32
      %get3A_67 = arith.constant 0 : i32
      %get3A_68 = arith.index_cast %get3A_67 : i32 to index
      %get3A_69 = arith.index_cast %mul3A_66 : i32 to index
      %get3A_70 = tpu.vector_load %arg4[%get3A_68, %get3A_69] {strides = array<i32>} : memref<2x4992xi32, #tpu.memory_space<vmem>>, vector<16xi32>,
      tpu.vector_store_idx %arg6[%get3A_70], %broadcast_in_dim3A_1 {add = true} : memref<10240xf32, #tpu.memory_space<vmem>>[vector<16xi32>], vector<16xf32>,
      %scan3A_71 = arith.constant 0 : i32
      %scan3A_72 = arith.constant 2 : i32
      %scan3A_73 = arith.addi %scan3A_55, %scan3A_72 : i32
      %mul3A_74 = arith.constant 16 : i32
      %mul3A_75 = arith.muli %scan3A_73, %mul3A_74 : i32
      %get3A_76 = arith.constant 0 : i32
      %get3A_77 = arith.index_cast %get3A_76 : i32 to index
      %get3A_78 = arith.index_cast %mul3A_75 : i32 to index
      %get3A_79 = tpu.vector_load %arg4[%get3A_77, %get3A_78] {strides = array<i32>} : memref<2x4992xi32, #tpu.memory_space<vmem>>, vector<16xi32>,
      tpu.vector_store_idx %arg6[%get3A_79], %broadcast_in_dim3A_1 {add = true} : memref<10240xf32, #tpu.memory_space<vmem>>[vector<16xi32>], vector<16xf32>,
      %scan3A_80 = arith.constant 0 : i32
      %scan3A_81 = arith.constant 3 : i32
      %scan3A_82 = arith.addi %scan3A_55, %scan3A_81 : i32
      %mul3A_83 = arith.constant 16 : i32
      %mul3A_84 = arith.muli %scan3A_82, %mul3A_83 : i32
      %get3A_85 = arith.constant 0 : i32
      %get3A_86 = arith.index_cast %get3A_85 : i32 to index
      %get3A_87 = arith.index_cast %mul3A_84 : i32 to index
      %get3A_88 = tpu.vector_load %arg4[%get3A_86, %get3A_87] {strides = array<i32>} : memref<2x4992xi32, #tpu.memory_space<vmem>>, vector<16xi32>,
      tpu.vector_store_idx %arg6[%get3A_88], %broadcast_in_dim3A_1 {add = true} : memref<10240xf32, #tpu.memory_space<vmem>>[vector<16xi32>], vector<16xf32>,
      %scan3A_89 = arith.constant 0 : i32
      scf.yield %scan3A_89 : i32
    }
    %scan3A_26 = arith.constant 312 : i32
    %scan3A_27 = arith.constant 0 : i32
    %scan3A_28 = arith.constant 0 : i32
    %scan3A_29 = arith.constant 312 : i32
    %scan3A_30 = arith.addi %scan3A_28, %scan3A_29 : i32
    %scan3A_31 = arith.constant 4 : i32
    %scan3A_32 = scf.for %scan3A_55 = %scan3A_28 to %scan3A_30 step %scan3A_31 iter_args(%scan3A_56 = %scan3A_27) -> (i32)  : i32 {
      %mul3A_57 = arith.constant 16 : i32
      %mul3A_58 = arith.muli %scan3A_55, %mul3A_57 : i32
      %get3A = arith.constant 1 : i32
      %get3A_59 = arith.index_cast %get3A : i32 to index
      %get3A_60 = arith.index_cast %mul3A_58 : i32 to index
      %get3A_61 = tpu.vector_load %arg4[%get3A_59, %get3A_60] {strides = array<i32>} : memref<2x4992xi32, #tpu.memory_space<vmem>>, vector<16xi32>,
      tpu.vector_store_idx %arg6[%get3A_61], %broadcast_in_dim3A_1 {add = true} : memref<10240xf32, #tpu.memory_space<vmem>>[vector<16xi32>], vector<16xf32>,
      %scan3A_62 = arith.constant 0 : i32
      %scan3A_63 = arith.constant 1 : i32
      %scan3A_64 = arith.addi %scan3A_55, %scan3A_63 : i32
      %mul3A_65 = arith.constant 16 : i32
      %mul3A_66 = arith.muli %scan3A_64, %mul3A_65 : i32
      %get3A_67 = arith.constant 1 : i32
      %get3A_68 = arith.index_cast %get3A_67 : i32 to index
      %get3A_69 = arith.index_cast %mul3A_66 : i32 to index
      %get3A_70 = tpu.vector_load %arg4[%get3A_68, %get3A_69] {strides = array<i32>} : memref<2x4992xi32, #tpu.memory_space<vmem>>, vector<16xi32>,
      tpu.vector_store_idx %arg6[%get3A_70], %broadcast_in_dim3A_1 {add = true} : memref<10240xf32, #tpu.memory_space<vmem>>[vector<16xi32>], vector<16xf32>,
      %scan3A_71 = arith.constant 0 : i32
      %scan3A_72 = arith.constant 2 : i32
      %scan3A_73 = arith.addi %scan3A_55, %scan3A_72 : i32
      %mul3A_74 = arith.constant 16 : i32
      %mul3A_75 = arith.muli %scan3A_73, %mul3A_74 : i32
      %get3A_76 = arith.constant 1 : i32
      %get3A_77 = arith.index_cast %get3A_76 : i32 to index
      %get3A_78 = arith.index_cast %mul3A_75 : i32 to index
      %get3A_79 = tpu.vector_load %arg4[%get3A_77, %get3A_78] {strides = array<i32>} : memref<2x4992xi32, #tpu.memory_space<vmem>>, vector<16xi32>,
      tpu.vector_store_idx %arg6[%get3A_79], %broadcast_in_dim3A_1 {add = true} : memref<10240xf32, #tpu.memory_space<vmem>>[vector<16xi32>], vector<16xf32>,
      %scan3A_80 = arith.constant 0 : i32
      %scan3A_81 = arith.constant 3 : i32
      %scan3A_82 = arith.addi %scan3A_55, %scan3A_81 : i32
      %mul3A_83 = arith.constant 16 : i32
      %mul3A_84 = arith.muli %scan3A_82, %mul3A_83 : i32
      %get3A_85 = arith.constant 1 : i32
      %get3A_86 = arith.index_cast %get3A_85 : i32 to index
      %get3A_87 = arith.index_cast %mul3A_84 : i32 to index
      %get3A_88 = tpu.vector_load %arg4[%get3A_86, %get3A_87] {strides = array<i32>} : memref<2x4992xi32, #tpu.memory_space<vmem>>, vector<16xi32>,
      tpu.vector_store_idx %arg6[%get3A_88], %broadcast_in_dim3A_1 {add = true} : memref<10240xf32, #tpu.memory_space<vmem>>[vector<16xi32>], vector<16xf32>,
      %scan3A_89 = arith.constant 0 : i32
      scf.yield %scan3A_89 : i32
    }
    %scan3A_33 = arith.constant 312 : i32
    %lt3A_34 = arith.constant 2 : i32
    %lt3A_35 = arith.cmpi slt, %add3A, %lt3A_34 : i32
    %convert_element_type3A_36 = arith.extui %lt3A_35 : i1 to i32
    %cond3A_37 = arith.constant 0 : i32
    %cond3A_38 = arith.cmpi ne, %convert_element_type3A_36, %cond3A_37 : i32
    scf.if %cond3A_38 {
      %scan3A_55 = arith.constant 0 : i32
      %scan3A_56 = arith.constant 0 : i32
      %scan3A_57 = arith.constant 8 : i32
      %scan3A_58 = arith.addi %scan3A_56, %scan3A_57 : i32
      %scan3A_59 = arith.constant 4 : i32
      %scan3A_60 = scf.for %scan3A_69 = %scan3A_56 to %scan3A_58 step %scan3A_59 iter_args(%scan3A_70 = %scan3A_55) -> (i32)  : i32 {
        %mul3A_71 = arith.constant 16 : i32
        %mul3A_72 = arith.muli %scan3A_69, %mul3A_71 : i32
        %get3A = arith.constant 0 : i32
        %get3A_73 = arith.index_cast %get3A : i32 to index
        %get3A_74 = arith.index_cast %mul3A_72 : i32 to index
        %get3A_75 = tpu.vector_load %arg5[%get3A_73, %get3A_74] {strides = array<i32>} : memref<2x128xi32, #tpu.memory_space<vmem>>, vector<16xi32>,
        tpu.vector_store_idx %arg6[%get3A_75], %broadcast_in_dim3A_1 {add = true} : memref<10240xf32, #tpu.memory_space<vmem>>[vector<16xi32>], vector<16xf32>,
        %scan3A_76 = arith.constant 0 : i32
        %scan3A_77 = arith.constant 1 : i32
        %scan3A_78 = arith.addi %scan3A_69, %scan3A_77 : i32
        %mul3A_79 = arith.constant 16 : i32
        %mul3A_80 = arith.muli %scan3A_78, %mul3A_79 : i32
        %get3A_81 = arith.constant 0 : i32
        %get3A_82 = arith.index_cast %get3A_81 : i32 to index
        %get3A_83 = arith.index_cast %mul3A_80 : i32 to index
        %get3A_84 = tpu.vector_load %arg5[%get3A_82, %get3A_83] {strides = array<i32>} : memref<2x128xi32, #tpu.memory_space<vmem>>, vector<16xi32>,
        tpu.vector_store_idx %arg6[%get3A_84], %broadcast_in_dim3A_1 {add = true} : memref<10240xf32, #tpu.memory_space<vmem>>[vector<16xi32>], vector<16xf32>,
        %scan3A_85 = arith.constant 0 : i32
        %scan3A_86 = arith.constant 2 : i32
        %scan3A_87 = arith.addi %scan3A_69, %scan3A_86 : i32
        %mul3A_88 = arith.constant 16 : i32
        %mul3A_89 = arith.muli %scan3A_87, %mul3A_88 : i32
        %get3A_90 = arith.constant 0 : i32
        %get3A_91 = arith.index_cast %get3A_90 : i32 to index
        %get3A_92 = arith.index_cast %mul3A_89 : i32 to index
        %get3A_93 = tpu.vector_load %arg5[%get3A_91, %get3A_92] {strides = array<i32>} : memref<2x128xi32, #tpu.memory_space<vmem>>, vector<16xi32>,
        tpu.vector_store_idx %arg6[%get3A_93], %broadcast_in_dim3A_1 {add = true} : memref<10240xf32, #tpu.memory_space<vmem>>[vector<16xi32>], vector<16xf32>,
        %scan3A_94 = arith.constant 0 : i32
        %scan3A_95 = arith.constant 3 : i32
        %scan3A_96 = arith.addi %scan3A_69, %scan3A_95 : i32
        %mul3A_97 = arith.constant 16 : i32
        %mul3A_98 = arith.muli %scan3A_96, %mul3A_97 : i32
        %get3A_99 = arith.constant 0 : i32
        %get3A_100 = arith.index_cast %get3A_99 : i32 to index
        %get3A_101 = arith.index_cast %mul3A_98 : i32 to index
        %get3A_102 = tpu.vector_load %arg5[%get3A_100, %get3A_101] {strides = array<i32>} : memref<2x128xi32, #tpu.memory_space<vmem>>, vector<16xi32>,
        tpu.vector_store_idx %arg6[%get3A_102], %broadcast_in_dim3A_1 {add = true} : memref<10240xf32, #tpu.memory_space<vmem>>[vector<16xi32>], vector<16xf32>,
        %scan3A_103 = arith.constant 0 : i32
        scf.yield %scan3A_103 : i32
      }
      %scan3A_61 = arith.constant 8 : i32
      %scan3A_62 = arith.constant 0 : i32
      %scan3A_63 = arith.constant 0 : i32
      %scan3A_64 = arith.constant 8 : i32
      %scan3A_65 = arith.addi %scan3A_63, %scan3A_64 : i32
      %scan3A_66 = arith.constant 4 : i32
      %scan3A_67 = scf.for %scan3A_69 = %scan3A_63 to %scan3A_65 step %scan3A_66 iter_args(%scan3A_70 = %scan3A_62) -> (i32)  : i32 {
        %mul3A_71 = arith.constant 16 : i32
        %mul3A_72 = arith.muli %scan3A_69, %mul3A_71 : i32
        %get3A = arith.constant 1 : i32
        %get3A_73 = arith.index_cast %get3A : i32 to index
        %get3A_74 = arith.index_cast %mul3A_72 : i32 to index
        %get3A_75 = tpu.vector_load %arg5[%get3A_73, %get3A_74] {strides = array<i32>} : memref<2x128xi32, #tpu.memory_space<vmem>>, vector<16xi32>,
        tpu.vector_store_idx %arg6[%get3A_75], %broadcast_in_dim3A_1 {add = true} : memref<10240xf32, #tpu.memory_space<vmem>>[vector<16xi32>], vector<16xf32>,
        %scan3A_76 = arith.constant 0 : i32
        %scan3A_77 = arith.constant 1 : i32
        %scan3A_78 = arith.addi %scan3A_69, %scan3A_77 : i32
        %mul3A_79 = arith.constant 16 : i32
        %mul3A_80 = arith.muli %scan3A_78, %mul3A_79 : i32
        %get3A_81 = arith.constant 1 : i32
        %get3A_82 = arith.index_cast %get3A_81 : i32 to index
        %get3A_83 = arith.index_cast %mul3A_80 : i32 to index
        %get3A_84 = tpu.vector_load %arg5[%get3A_82, %get3A_83] {strides = array<i32>} : memref<2x128xi32, #tpu.memory_space<vmem>>, vector<16xi32>,
        tpu.vector_store_idx %arg6[%get3A_84], %broadcast_in_dim3A_1 {add = true} : memref<10240xf32, #tpu.memory_space<vmem>>[vector<16xi32>], vector<16xf32>,
        %scan3A_85 = arith.constant 0 : i32
        %scan3A_86 = arith.constant 2 : i32
        %scan3A_87 = arith.addi %scan3A_69, %scan3A_86 : i32
        %mul3A_88 = arith.constant 16 : i32
        %mul3A_89 = arith.muli %scan3A_87, %mul3A_88 : i32
        %get3A_90 = arith.constant 1 : i32
        %get3A_91 = arith.index_cast %get3A_90 : i32 to index
        %get3A_92 = arith.index_cast %mul3A_89 : i32 to index
        %get3A_93 = tpu.vector_load %arg5[%get3A_91, %get3A_92] {strides = array<i32>} : memref<2x128xi32, #tpu.memory_space<vmem>>, vector<16xi32>,
        tpu.vector_store_idx %arg6[%get3A_93], %broadcast_in_dim3A_1 {add = true} : memref<10240xf32, #tpu.memory_space<vmem>>[vector<16xi32>], vector<16xf32>,
        %scan3A_94 = arith.constant 0 : i32
        %scan3A_95 = arith.constant 3 : i32
        %scan3A_96 = arith.addi %scan3A_69, %scan3A_95 : i32
        %mul3A_97 = arith.constant 16 : i32
        %mul3A_98 = arith.muli %scan3A_96, %mul3A_97 : i32
        %get3A_99 = arith.constant 1 : i32
        %get3A_100 = arith.index_cast %get3A_99 : i32 to index
        %get3A_101 = arith.index_cast %mul3A_98 : i32 to index
        %get3A_102 = tpu.vector_load %arg5[%get3A_100, %get3A_101] {strides = array<i32>} : memref<2x128xi32, #tpu.memory_space<vmem>>, vector<16xi32>,
        tpu.vector_store_idx %arg6[%get3A_102], %broadcast_in_dim3A_1 {add = true} : memref<10240xf32, #tpu.memory_space<vmem>>[vector<16xi32>], vector<16xf32>,
        %scan3A_103 = arith.constant 0 : i32
        scf.yield %scan3A_103 : i32
      }
      %scan3A_68 = arith.constant 8 : i32
    } else {
    }
    "tpu.region"() ({
      %run_scoped3A_55 = tpu.sem_alloc : memref<!tpu.dma_semaphore, #tpu.memory_space<semaphore_mem>>
      %dma_start3A_56 = arith.constant 0 : i32
      %dma_start3A_57 = tpu.memref_slice %arg9[%arg1, %dma_start3A_56] : memref<16x10240xf32, #tpu.memory_space<vmem_shared>> -> memref<1x10240xf32, #tpu.memory_space<vmem_shared>>
      %dma_start3A_58 = tpu.memref_squeeze %dma_start3A_57 : memref<1x10240xf32, #tpu.memory_space<vmem_shared>> -> memref<10240xf32, #tpu.memory_space<vmem_shared>>
      %dma_start3A_59 = arith.constant 0 : i32
      %dma_start3A_60 = tpu.memref_slice %arg9[%arg1, %dma_start3A_59] : memref<16x10240xf32, #tpu.memory_space<vmem_shared>> -> memref<1x10240xf32, #tpu.memory_space<vmem_shared>>
      %dma_start3A_61 = tpu.memref_squeeze %dma_start3A_60 : memref<1x10240xf32, #tpu.memory_space<vmem_shared>> -> memref<10240xf32, #tpu.memory_space<vmem_shared>>
      tpu.enqueue_dma source(%arg6 : memref<10240xf32, #tpu.memory_space<vmem>>) target(%dma_start3A_61 : memref<10240xf32, #tpu.memory_space<vmem_shared>>) target_semaphore(%run_scoped3A_55 : memref<!tpu.dma_semaphore, #tpu.memory_space<semaphore_mem>>)
      %dma_wait3A_62 = arith.constant 0 : i32
      %dma_wait3A_63 = tpu.memref_slice %arg9[%arg1, %dma_wait3A_62] : memref<16x10240xf32, #tpu.memory_space<vmem_shared>> -> memref<1x10240xf32, #tpu.memory_space<vmem_shared>>
      %dma_wait3A_64 = tpu.memref_squeeze %dma_wait3A_63 : memref<1x10240xf32, #tpu.memory_space<vmem_shared>> -> memref<10240xf32, #tpu.memory_space<vmem_shared>>
      %dma_wait3A_65 = arith.constant 0 : i32
      %dma_wait3A_66 = tpu.memref_slice %arg9[%arg1, %dma_wait3A_65] : memref<16x10240xf32, #tpu.memory_space<vmem_shared>> -> memref<1x10240xf32, #tpu.memory_space<vmem_shared>>
      %dma_wait3A_67 = tpu.memref_squeeze %dma_wait3A_66 : memref<1x10240xf32, #tpu.memory_space<vmem_shared>> -> memref<10240xf32, #tpu.memory_space<vmem_shared>>
      tpu.wait_dma2 semaphore(%run_scoped3A_55 : memref<!tpu.dma_semaphore, #tpu.memory_space<semaphore_mem>>) src(%arg6 : memref<10240xf32, #tpu.memory_space<vmem>>) dst(%dma_wait3A_67 : memref<10240xf32, #tpu.memory_space<vmem_shared>>)
      tpu.yield
    }) : () -> ()
    %barrier3A = arith.constant 0 : index
    tpu.barrier barrier_id(%barrier3A)
    %scan3A_39 = arith.constant 0 : i32
    %scan3A_40 = arith.constant 0 : i32
    %scan3A_41 = arith.constant 40 : i32
    %scan3A_42 = arith.addi %scan3A_40, %scan3A_41 : i32
    %scan3A_43 = arith.constant 8 : i32
    %scan3A_44 = scf.for %scan3A_55 = %scan3A_40 to %scan3A_42 step %scan3A_43 iter_args(%scan3A_56 = %scan3A_39) -> (i32)  : i32 {
      %mul3A_57 = arith.constant 16 : i32
      %mul3A_58 = arith.muli %scan3A_55, %mul3A_57 : i32
      %swap3A = arith.index_cast %mul3A_58 : i32 to index
      %swap3A_59 = tpu.vector_load %arg7[%swap3A] {strides = array<i32>} : memref<640xf32, #tpu.memory_space<vmem>>, vector<16xf32>,
      tpu.vector_store %arg7[%swap3A], %broadcast_in_dim3A_3 {strides = array<i32>} : memref<640xf32, #tpu.memory_space<vmem>>, vector<16xf32>,
      %scan3A_60 = arith.constant 0 : i32
      %scan3A_61 = arith.constant 1 : i32
      %scan3A_62 = arith.addi %scan3A_55, %scan3A_61 : i32
      %mul3A_63 = arith.constant 16 : i32
      %mul3A_64 = arith.muli %scan3A_62, %mul3A_63 : i32
      %swap3A_65 = arith.index_cast %mul3A_64 : i32 to index
      %swap3A_66 = tpu.vector_load %arg7[%swap3A_65] {strides = array<i32>} : memref<640xf32, #tpu.memory_space<vmem>>, vector<16xf32>,
      tpu.vector_store %arg7[%swap3A_65], %broadcast_in_dim3A_3 {strides = array<i32>} : memref<640xf32, #tpu.memory_space<vmem>>, vector<16xf32>,
      %scan3A_67 = arith.constant 0 : i32
      %scan3A_68 = arith.constant 2 : i32
      %scan3A_69 = arith.addi %scan3A_55, %scan3A_68 : i32
      %mul3A_70 = arith.constant 16 : i32
      %mul3A_71 = arith.muli %scan3A_69, %mul3A_70 : i32
      %swap3A_72 = arith.index_cast %mul3A_71 : i32 to index
      %swap3A_73 = tpu.vector_load %arg7[%swap3A_72] {strides = array<i32>} : memref<640xf32, #tpu.memory_space<vmem>>, vector<16xf32>,
      tpu.vector_store %arg7[%swap3A_72], %broadcast_in_dim3A_3 {strides = array<i32>} : memref<640xf32, #tpu.memory_space<vmem>>, vector<16xf32>,
      %scan3A_74 = arith.constant 0 : i32
      %scan3A_75 = arith.constant 3 : i32
      %scan3A_76 = arith.addi %scan3A_55, %scan3A_75 : i32
      %mul3A_77 = arith.constant 16 : i32
      %mul3A_78 = arith.muli %scan3A_76, %mul3A_77 : i32
      %swap3A_79 = arith.index_cast %mul3A_78 : i32 to index
      %swap3A_80 = tpu.vector_load %arg7[%swap3A_79] {strides = array<i32>} : memref<640xf32, #tpu.memory_space<vmem>>, vector<16xf32>,
      tpu.vector_store %arg7[%swap3A_79], %broadcast_in_dim3A_3 {strides = array<i32>} : memref<640xf32, #tpu.memory_space<vmem>>, vector<16xf32>,
      %scan3A_81 = arith.constant 0 : i32
      %scan3A_82 = arith.constant 4 : i32
      %scan3A_83 = arith.addi %scan3A_55, %scan3A_82 : i32
      %mul3A_84 = arith.constant 16 : i32
      %mul3A_85 = arith.muli %scan3A_83, %mul3A_84 : i32
      %swap3A_86 = arith.index_cast %mul3A_85 : i32 to index
      %swap3A_87 = tpu.vector_load %arg7[%swap3A_86] {strides = array<i32>} : memref<640xf32, #tpu.memory_space<vmem>>, vector<16xf32>,
      tpu.vector_store %arg7[%swap3A_86], %broadcast_in_dim3A_3 {strides = array<i32>} : memref<640xf32, #tpu.memory_space<vmem>>, vector<16xf32>,
      %scan3A_88 = arith.constant 0 : i32
      %scan3A_89 = arith.constant 5 : i32
      %scan3A_90 = arith.addi %scan3A_55, %scan3A_89 : i32
      %mul3A_91 = arith.constant 16 : i32
      %mul3A_92 = arith.muli %scan3A_90, %mul3A_91 : i32
      %swap3A_93 = arith.index_cast %mul3A_92 : i32 to index
      %swap3A_94 = tpu.vector_load %arg7[%swap3A_93] {strides = array<i32>} : memref<640xf32, #tpu.memory_space<vmem>>, vector<16xf32>,
      tpu.vector_store %arg7[%swap3A_93], %broadcast_in_dim3A_3 {strides = array<i32>} : memref<640xf32, #tpu.memory_space<vmem>>, vector<16xf32>,
      %scan3A_95 = arith.constant 0 : i32
      %scan3A_96 = arith.constant 6 : i32
      %scan3A_97 = arith.addi %scan3A_55, %scan3A_96 : i32
      %mul3A_98 = arith.constant 16 : i32
      %mul3A_99 = arith.muli %scan3A_97, %mul3A_98 : i32
      %swap3A_100 = arith.index_cast %mul3A_99 : i32 to index
      %swap3A_101 = tpu.vector_load %arg7[%swap3A_100] {strides = array<i32>} : memref<640xf32, #tpu.memory_space<vmem>>, vector<16xf32>,
      tpu.vector_store %arg7[%swap3A_100], %broadcast_in_dim3A_3 {strides = array<i32>} : memref<640xf32, #tpu.memory_space<vmem>>, vector<16xf32>,
      %scan3A_102 = arith.constant 0 : i32
      %scan3A_103 = arith.constant 7 : i32
      %scan3A_104 = arith.addi %scan3A_55, %scan3A_103 : i32
      %mul3A_105 = arith.constant 16 : i32
      %mul3A_106 = arith.muli %scan3A_104, %mul3A_105 : i32
      %swap3A_107 = arith.index_cast %mul3A_106 : i32 to index
      %swap3A_108 = tpu.vector_load %arg7[%swap3A_107] {strides = array<i32>} : memref<640xf32, #tpu.memory_space<vmem>>, vector<16xf32>,
      tpu.vector_store %arg7[%swap3A_107], %broadcast_in_dim3A_3 {strides = array<i32>} : memref<640xf32, #tpu.memory_space<vmem>>, vector<16xf32>,
      %scan3A_109 = arith.constant 0 : i32
      scf.yield %scan3A_109 : i32
    }
    %scan3A_45 = arith.constant 40 : i32
    %scan3A_46 = arith.constant 0 : i32
    %scan3A_47 = arith.constant 0 : i32
    %scan3A_48 = arith.constant 16 : i32
    %scan3A_49 = arith.addi %scan3A_47, %scan3A_48 : i32
    %scan3A_50 = arith.constant 1 : i32
    %scan3A_51 = scf.for %scan3A_55 = %scan3A_47 to %scan3A_49 step %scan3A_50 iter_args(%scan3A_56 = %scan3A_46) -> (i32)  : i32 {
      %mul3A_57 = arith.constant 640 : i32
      %mul3A_58 = arith.muli %arg1, %mul3A_57 : i32
      "tpu.region"() ({
        %run_scoped3A_67 = tpu.sem_alloc : memref<!tpu.dma_semaphore, #tpu.memory_space<semaphore_mem>>
        %dma_start3A_68 = tpu.memref_slice %arg9[%scan3A_55, %mul3A_58] : memref<16x10240xf32, #tpu.memory_space<vmem_shared>> -> memref<1x640xf32, #tpu.memory_space<vmem_shared>>
        %dma_start3A_69 = tpu.memref_squeeze %dma_start3A_68 : memref<1x640xf32, #tpu.memory_space<vmem_shared>> -> memref<640xf32, #tpu.memory_space<vmem_shared>>
        %dma_start3A_70 = tpu.memref_slice %arg9[%scan3A_55, %mul3A_58] : memref<16x10240xf32, #tpu.memory_space<vmem_shared>> -> memref<1x640xf32, #tpu.memory_space<vmem_shared>>
        %dma_start3A_71 = tpu.memref_squeeze %dma_start3A_70 : memref<1x640xf32, #tpu.memory_space<vmem_shared>> -> memref<640xf32, #tpu.memory_space<vmem_shared>>
        tpu.enqueue_dma source(%dma_start3A_71 : memref<640xf32, #tpu.memory_space<vmem_shared>>) target(%arg8 : memref<640xf32, #tpu.memory_space<vmem>>) target_semaphore(%run_scoped3A_67 : memref<!tpu.dma_semaphore, #tpu.memory_space<semaphore_mem>>)
        %dma_wait3A_72 = tpu.memref_slice %arg9[%scan3A_55, %mul3A_58] : memref<16x10240xf32, #tpu.memory_space<vmem_shared>> -> memref<1x640xf32, #tpu.memory_space<vmem_shared>>
        %dma_wait3A_73 = tpu.memref_squeeze %dma_wait3A_72 : memref<1x640xf32, #tpu.memory_space<vmem_shared>> -> memref<640xf32, #tpu.memory_space<vmem_shared>>
        %dma_wait3A_74 = tpu.memref_slice %arg9[%scan3A_55, %mul3A_58] : memref<16x10240xf32, #tpu.memory_space<vmem_shared>> -> memref<1x640xf32, #tpu.memory_space<vmem_shared>>
        %dma_wait3A_75 = tpu.memref_squeeze %dma_wait3A_74 : memref<1x640xf32, #tpu.memory_space<vmem_shared>> -> memref<640xf32, #tpu.memory_space<vmem_shared>>
        tpu.wait_dma2 semaphore(%run_scoped3A_67 : memref<!tpu.dma_semaphore, #tpu.memory_space<semaphore_mem>>) src(%dma_wait3A_75 : memref<640xf32, #tpu.memory_space<vmem_shared>>) dst(%arg8 : memref<640xf32, #tpu.memory_space<vmem>>)
        tpu.yield
      }) : () -> ()
      %scan3A_59 = arith.constant 0 : i32
      %scan3A_60 = arith.constant 0 : i32
      %scan3A_61 = arith.constant 40 : i32
      %scan3A_62 = arith.addi %scan3A_60, %scan3A_61 : i32
      %scan3A_63 = arith.constant 8 : i32
      %scan3A_64 = scf.for %scan3A_67 = %scan3A_60 to %scan3A_62 step %scan3A_63 iter_args(%scan3A_68 = %scan3A_59) -> (i32)  : i32 {
        %mul3A_69 = arith.constant 16 : i32
        %mul3A_70 = arith.muli %scan3A_67, %mul3A_69 : i32
        %get3A = arith.index_cast %mul3A_70 : i32 to index
        %get3A_71 = tpu.vector_load %arg7[%get3A] {strides = array<i32>} : memref<640xf32, #tpu.memory_space<vmem>>, vector<16xf32>,
        %mul3A_72 = arith.constant 16 : i32
        %mul3A_73 = arith.muli %scan3A_67, %mul3A_72 : i32
        %get3A_74 = arith.index_cast %mul3A_73 : i32 to index
        %get3A_75 = tpu.vector_load %arg8[%get3A_74] {strides = array<i32>} : memref<640xf32, #tpu.memory_space<vmem>>, vector<16xf32>,
        %add3A_76 = arith.addf %get3A_71, %get3A_75 : vector<16xf32>
        %mul3A_77 = arith.constant 16 : i32
        %mul3A_78 = arith.muli %scan3A_67, %mul3A_77 : i32
        %swap3A = arith.index_cast %mul3A_78 : i32 to index
        %swap3A_79 = tpu.vector_load %arg7[%swap3A] {strides = array<i32>} : memref<640xf32, #tpu.memory_space<vmem>>, vector<16xf32>,
        tpu.vector_store %arg7[%swap3A], %add3A_76 {strides = array<i32>} : memref<640xf32, #tpu.memory_space<vmem>>, vector<16xf32>,
        %scan3A_80 = arith.constant 0 : i32
        %scan3A_81 = arith.constant 1 : i32
        %scan3A_82 = arith.addi %scan3A_67, %scan3A_81 : i32
        %mul3A_83 = arith.constant 16 : i32
        %mul3A_84 = arith.muli %scan3A_82, %mul3A_83 : i32
        %get3A_85 = arith.index_cast %mul3A_84 : i32 to index
        %get3A_86 = tpu.vector_load %arg7[%get3A_85] {strides = array<i32>} : memref<640xf32, #tpu.memory_space<vmem>>, vector<16xf32>,
        %mul3A_87 = arith.constant 16 : i32
        %mul3A_88 = arith.muli %scan3A_82, %mul3A_87 : i32
        %get3A_89 = arith.index_cast %mul3A_88 : i32 to index
        %get3A_90 = tpu.vector_load %arg8[%get3A_89] {strides = array<i32>} : memref<640xf32, #tpu.memory_space<vmem>>, vector<16xf32>,
        %add3A_91 = arith.addf %get3A_86, %get3A_90 : vector<16xf32>
        %mul3A_92 = arith.constant 16 : i32
        %mul3A_93 = arith.muli %scan3A_82, %mul3A_92 : i32
        %swap3A_94 = arith.index_cast %mul3A_93 : i32 to index
        %swap3A_95 = tpu.vector_load %arg7[%swap3A_94] {strides = array<i32>} : memref<640xf32, #tpu.memory_space<vmem>>, vector<16xf32>,
        tpu.vector_store %arg7[%swap3A_94], %add3A_91 {strides = array<i32>} : memref<640xf32, #tpu.memory_space<vmem>>, vector<16xf32>,
        %scan3A_96 = arith.constant 0 : i32
        %scan3A_97 = arith.constant 2 : i32
        %scan3A_98 = arith.addi %scan3A_67, %scan3A_97 : i32
        %mul3A_99 = arith.constant 16 : i32
        %mul3A_100 = arith.muli %scan3A_98, %mul3A_99 : i32
        %get3A_101 = arith.index_cast %mul3A_100 : i32 to index
        %get3A_102 = tpu.vector_load %arg7[%get3A_101] {strides = array<i32>} : memref<640xf32, #tpu.memory_space<vmem>>, vector<16xf32>,
        %mul3A_103 = arith.constant 16 : i32
        %mul3A_104 = arith.muli %scan3A_98, %mul3A_103 : i32
        %get3A_105 = arith.index_cast %mul3A_104 : i32 to index
        %get3A_106 = tpu.vector_load %arg8[%get3A_105] {strides = array<i32>} : memref<640xf32, #tpu.memory_space<vmem>>, vector<16xf32>,
        %add3A_107 = arith.addf %get3A_102, %get3A_106 : vector<16xf32>
        %mul3A_108 = arith.constant 16 : i32
        %mul3A_109 = arith.muli %scan3A_98, %mul3A_108 : i32
        %swap3A_110 = arith.index_cast %mul3A_109 : i32 to index
        %swap3A_111 = tpu.vector_load %arg7[%swap3A_110] {strides = array<i32>} : memref<640xf32, #tpu.memory_space<vmem>>, vector<16xf32>,
        tpu.vector_store %arg7[%swap3A_110], %add3A_107 {strides = array<i32>} : memref<640xf32, #tpu.memory_space<vmem>>, vector<16xf32>,
        %scan3A_112 = arith.constant 0 : i32
        %scan3A_113 = arith.constant 3 : i32
        %scan3A_114 = arith.addi %scan3A_67, %scan3A_113 : i32
        %mul3A_115 = arith.constant 16 : i32
        %mul3A_116 = arith.muli %scan3A_114, %mul3A_115 : i32
        %get3A_117 = arith.index_cast %mul3A_116 : i32 to index
        %get3A_118 = tpu.vector_load %arg7[%get3A_117] {strides = array<i32>} : memref<640xf32, #tpu.memory_space<vmem>>, vector<16xf32>,
        %mul3A_119 = arith.constant 16 : i32
        %mul3A_120 = arith.muli %scan3A_114, %mul3A_119 : i32
        %get3A_121 = arith.index_cast %mul3A_120 : i32 to index
        %get3A_122 = tpu.vector_load %arg8[%get3A_121] {strides = array<i32>} : memref<640xf32, #tpu.memory_space<vmem>>, vector<16xf32>,
        %add3A_123 = arith.addf %get3A_118, %get3A_122 : vector<16xf32>
        %mul3A_124 = arith.constant 16 : i32
        %mul3A_125 = arith.muli %scan3A_114, %mul3A_124 : i32
        %swap3A_126 = arith.index_cast %mul3A_125 : i32 to index
        %swap3A_127 = tpu.vector_load %arg7[%swap3A_126] {strides = array<i32>} : memref<640xf32, #tpu.memory_space<vmem>>, vector<16xf32>,
        tpu.vector_store %arg7[%swap3A_126], %add3A_123 {strides = array<i32>} : memref<640xf32, #tpu.memory_space<vmem>>, vector<16xf32>,
        %scan3A_128 = arith.constant 0 : i32
        %scan3A_129 = arith.constant 4 : i32
        %scan3A_130 = arith.addi %scan3A_67, %scan3A_129 : i32
        %mul3A_131 = arith.constant 16 : i32
        %mul3A_132 = arith.muli %scan3A_130, %mul3A_131 : i32
        %get3A_133 = arith.index_cast %mul3A_132 : i32 to index
        %get3A_134 = tpu.vector_load %arg7[%get3A_133] {strides = array<i32>} : memref<640xf32, #tpu.memory_space<vmem>>, vector<16xf32>,
        %mul3A_135 = arith.constant 16 : i32
        %mul3A_136 = arith.muli %scan3A_130, %mul3A_135 : i32
        %get3A_137 = arith.index_cast %mul3A_136 : i32 to index
        %get3A_138 = tpu.vector_load %arg8[%get3A_137] {strides = array<i32>} : memref<640xf32, #tpu.memory_space<vmem>>, vector<16xf32>,
        %add3A_139 = arith.addf %get3A_134, %get3A_138 : vector<16xf32>
        %mul3A_140 = arith.constant 16 : i32
        %mul3A_141 = arith.muli %scan3A_130, %mul3A_140 : i32
        %swap3A_142 = arith.index_cast %mul3A_141 : i32 to index
        %swap3A_143 = tpu.vector_load %arg7[%swap3A_142] {strides = array<i32>} : memref<640xf32, #tpu.memory_space<vmem>>, vector<16xf32>,
        tpu.vector_store %arg7[%swap3A_142], %add3A_139 {strides = array<i32>} : memref<640xf32, #tpu.memory_space<vmem>>, vector<16xf32>,
        %scan3A_144 = arith.constant 0 : i32
        %scan3A_145 = arith.constant 5 : i32
        %scan3A_146 = arith.addi %scan3A_67, %scan3A_145 : i32
        %mul3A_147 = arith.constant 16 : i32
        %mul3A_148 = arith.muli %scan3A_146, %mul3A_147 : i32
        %get3A_149 = arith.index_cast %mul3A_148 : i32 to index
        %get3A_150 = tpu.vector_load %arg7[%get3A_149] {strides = array<i32>} : memref<640xf32, #tpu.memory_space<vmem>>, vector<16xf32>,
        %mul3A_151 = arith.constant 16 : i32
        %mul3A_152 = arith.muli %scan3A_146, %mul3A_151 : i32
        %get3A_153 = arith.index_cast %mul3A_152 : i32 to index
        %get3A_154 = tpu.vector_load %arg8[%get3A_153] {strides = array<i32>} : memref<640xf32, #tpu.memory_space<vmem>>, vector<16xf32>,
        %add3A_155 = arith.addf %get3A_150, %get3A_154 : vector<16xf32>
        %mul3A_156 = arith.constant 16 : i32
        %mul3A_157 = arith.muli %scan3A_146, %mul3A_156 : i32
        %swap3A_158 = arith.index_cast %mul3A_157 : i32 to index
        %swap3A_159 = tpu.vector_load %arg7[%swap3A_158] {strides = array<i32>} : memref<640xf32, #tpu.memory_space<vmem>>, vector<16xf32>,
        tpu.vector_store %arg7[%swap3A_158], %add3A_155 {strides = array<i32>} : memref<640xf32, #tpu.memory_space<vmem>>, vector<16xf32>,
        %scan3A_160 = arith.constant 0 : i32
        %scan3A_161 = arith.constant 6 : i32
        %scan3A_162 = arith.addi %scan3A_67, %scan3A_161 : i32
        %mul3A_163 = arith.constant 16 : i32
        %mul3A_164 = arith.muli %scan3A_162, %mul3A_163 : i32
        %get3A_165 = arith.index_cast %mul3A_164 : i32 to index
        %get3A_166 = tpu.vector_load %arg7[%get3A_165] {strides = array<i32>} : memref<640xf32, #tpu.memory_space<vmem>>, vector<16xf32>,
        %mul3A_167 = arith.constant 16 : i32
        %mul3A_168 = arith.muli %scan3A_162, %mul3A_167 : i32
        %get3A_169 = arith.index_cast %mul3A_168 : i32 to index
        %get3A_170 = tpu.vector_load %arg8[%get3A_169] {strides = array<i32>} : memref<640xf32, #tpu.memory_space<vmem>>, vector<16xf32>,
        %add3A_171 = arith.addf %get3A_166, %get3A_170 : vector<16xf32>
        %mul3A_172 = arith.constant 16 : i32
        %mul3A_173 = arith.muli %scan3A_162, %mul3A_172 : i32
        %swap3A_174 = arith.index_cast %mul3A_173 : i32 to index
        %swap3A_175 = tpu.vector_load %arg7[%swap3A_174] {strides = array<i32>} : memref<640xf32, #tpu.memory_space<vmem>>, vector<16xf32>,
        tpu.vector_store %arg7[%swap3A_174], %add3A_171 {strides = array<i32>} : memref<640xf32, #tpu.memory_space<vmem>>, vector<16xf32>,
        %scan3A_176 = arith.constant 0 : i32
        %scan3A_177 = arith.constant 7 : i32
        %scan3A_178 = arith.addi %scan3A_67, %scan3A_177 : i32
        %mul3A_179 = arith.constant 16 : i32
        %mul3A_180 = arith.muli %scan3A_178, %mul3A_179 : i32
        %get3A_181 = arith.index_cast %mul3A_180 : i32 to index
        %get3A_182 = tpu.vector_load %arg7[%get3A_181] {strides = array<i32>} : memref<640xf32, #tpu.memory_space<vmem>>, vector<16xf32>,
        %mul3A_183 = arith.constant 16 : i32
        %mul3A_184 = arith.muli %scan3A_178, %mul3A_183 : i32
        %get3A_185 = arith.index_cast %mul3A_184 : i32 to index
        %get3A_186 = tpu.vector_load %arg8[%get3A_185] {strides = array<i32>} : memref<640xf32, #tpu.memory_space<vmem>>, vector<16xf32>,
        %add3A_187 = arith.addf %get3A_182, %get3A_186 : vector<16xf32>
        %mul3A_188 = arith.constant 16 : i32
        %mul3A_189 = arith.muli %scan3A_178, %mul3A_188 : i32
        %swap3A_190 = arith.index_cast %mul3A_189 : i32 to index
        %swap3A_191 = tpu.vector_load %arg7[%swap3A_190] {strides = array<i32>} : memref<640xf32, #tpu.memory_space<vmem>>, vector<16xf32>,
        tpu.vector_store %arg7[%swap3A_190], %add3A_187 {strides = array<i32>} : memref<640xf32, #tpu.memory_space<vmem>>, vector<16xf32>,
        %scan3A_192 = arith.constant 0 : i32
        scf.yield %scan3A_192 : i32
      }
      %scan3A_65 = arith.constant 40 : i32
      %scan3A_66 = arith.constant 0 : i32
      scf.yield %scan3A_66 : i32
    }
    %scan3A_52 = arith.constant 16 : i32
    %mul3A_53 = arith.constant 640 : i32
    %mul3A_54 = arith.muli %arg1, %mul3A_53 : i32
    %run_scoped3A = arith.constant 0 : i32
    "tpu.region"() ({
      %run_scoped3A_55 = tpu.sem_alloc : memref<!tpu.dma_semaphore, #tpu.memory_space<semaphore_mem>>
      %dma_start3A_56 = tpu.memref_slice %arg3[%arg0, %run_scoped3A, %mul3A_54] : memref<2x8x10240xf32, #tpu.memory_space<hbm>> -> memref<1x1x640xf32, #tpu.memory_space<hbm>>
      %dma_start3A_57 = tpu.memref_squeeze %dma_start3A_56 : memref<1x1x640xf32, #tpu.memory_space<hbm>> -> memref<640xf32, #tpu.memory_space<hbm>>
      %dma_start3A_58 = tpu.memref_slice %arg3[%arg0, %run_scoped3A, %mul3A_54] : memref<2x8x10240xf32, #tpu.memory_space<hbm>> -> memref<1x1x640xf32, #tpu.memory_space<hbm>>
      %dma_start3A_59 = tpu.memref_squeeze %dma_start3A_58 : memref<1x1x640xf32, #tpu.memory_space<hbm>> -> memref<640xf32, #tpu.memory_space<hbm>>
      tpu.enqueue_dma source(%arg7 : memref<640xf32, #tpu.memory_space<vmem>>) target(%dma_start3A_59 : memref<640xf32, #tpu.memory_space<hbm>>) target_semaphore(%run_scoped3A_55 : memref<!tpu.dma_semaphore, #tpu.memory_space<semaphore_mem>>)
      %dma_wait3A_60 = tpu.memref_slice %arg3[%arg0, %run_scoped3A, %mul3A_54] : memref<2x8x10240xf32, #tpu.memory_space<hbm>> -> memref<1x1x640xf32, #tpu.memory_space<hbm>>
      %dma_wait3A_61 = tpu.memref_squeeze %dma_wait3A_60 : memref<1x1x640xf32, #tpu.memory_space<hbm>> -> memref<640xf32, #tpu.memory_space<hbm>>
      %dma_wait3A_62 = tpu.memref_slice %arg3[%arg0, %run_scoped3A, %mul3A_54] : memref<2x8x10240xf32, #tpu.memory_space<hbm>> -> memref<1x1x640xf32, #tpu.memory_space<hbm>>
      %dma_wait3A_63 = tpu.memref_squeeze %dma_wait3A_62 : memref<1x1x640xf32, #tpu.memory_space<hbm>> -> memref<640xf32, #tpu.memory_space<hbm>>
      tpu.wait_dma2 semaphore(%run_scoped3A_55 : memref<!tpu.dma_semaphore, #tpu.memory_space<semaphore_mem>>) src(%arg7 : memref<640xf32, #tpu.memory_space<vmem>>) dst(%dma_wait3A_63 : memref<640xf32, #tpu.memory_space<hbm>>)
      tpu.yield
    }) : () -> ()
    return
  }
}

module attributes {stable_mosaic.version = 14 : i64} {
  func.func @_tc_body(%arg0: i32, %arg1: memref<4x128xf32, #tpu.memory_space<vmem>>, %arg2: memref<128x64xf32, #tpu.memory_space<vmem>>, %arg3: memref<128x64xf32, #tpu.memory_space<vmem>>, %arg4: memref<1x64xf32, #tpu.memory_space<vmem>>, %arg5: memref<64x64xf32, #tpu.memory_space<vmem>>, %arg6: memref<64x64xf32, #tpu.memory_space<vmem>>, %arg7: memref<1x64xf32, #tpu.memory_space<vmem>>, %arg8: memref<64x2xf32, #tpu.memory_space<vmem>>, %arg9: memref<1x2xf32, #tpu.memory_space<vmem>>, %arg10: memref<1x8x10240xf32, #tpu.memory_space<vmem>>, %arg11: memref<1x8x10240xf32, #tpu.memory_space<vmem>>, %arg12: memref<4x2xf32, #tpu.memory_space<vmem>>) attributes {dimension_semantics = [#tpu.dimension_semantics<arbitrary>], iteration_bounds = array<i64: 1>, scalar_prefetch = 0 : i64, scratch_operands = 0 : i64, tpu.core_type = #tpu.core_type<tc>, window_params = [{pipeline_mode = #tpu.pipeline_mode<synchronous>, transform_indices = @transform_0, window_bounds = array<i64: 4, 128>}, {pipeline_mode = #tpu.pipeline_mode<synchronous>, transform_indices = @transform_1, window_bounds = array<i64: 128, 64>}, {pipeline_mode = #tpu.pipeline_mode<synchronous>, transform_indices = @transform_2, window_bounds = array<i64: 128, 64>}, {pipeline_mode = #tpu.pipeline_mode<synchronous>, transform_indices = @transform_3, window_bounds = array<i64: 1, 64>}, {pipeline_mode = #tpu.pipeline_mode<synchronous>, transform_indices = @transform_4, window_bounds = array<i64: 64, 64>}, {pipeline_mode = #tpu.pipeline_mode<synchronous>, transform_indices = @transform_5, window_bounds = array<i64: 64, 64>}, {pipeline_mode = #tpu.pipeline_mode<synchronous>, transform_indices = @transform_6, window_bounds = array<i64: 1, 64>}, {pipeline_mode = #tpu.pipeline_mode<synchronous>, transform_indices = @transform_7, window_bounds = array<i64: 64, 2>}, {pipeline_mode = #tpu.pipeline_mode<synchronous>, transform_indices = @transform_8, window_bounds = array<i64: 1, 2>}, {transform_indices = @transform_9, window_bounds = array<i64: 1, 8, 10240>}, {transform_indices = @transform_10, window_bounds = array<i64: 1, 8, 10240>}, {pipeline_mode = #tpu.pipeline_mode<synchronous>, transform_indices = @transform_11, window_bounds = array<i64: 4, 2>}]} {
    %get3A = arith.constant 0 : index
    %get3A_0 = arith.constant 0 : index
    %get3A_1 = vector.load %arg1[%get3A, %get3A_0] : memref<4x128xf32, #tpu.memory_space<vmem>>, vector<4x128xf32>
    %get3A_2 = arith.constant 0 : index
    %get3A_3 = arith.constant 0 : index
    %get3A_4 = vector.load %arg6[%get3A_2, %get3A_3] : memref<64x64xf32, #tpu.memory_space<vmem>>, vector<64x64xf32>
    %get3A_5 = arith.constant 0 : index
    %get3A_6 = arith.constant 0 : index
    %get3A_7 = vector.load %arg4[%get3A_5, %get3A_6] : memref<1x64xf32, #tpu.memory_space<vmem>>, vector<1x64xf32>
    %transpose3A = tpu.transpose %get3A_7, [1, 0] : vector<1x64xf32> -> vector<64x1xf32>
    %get3A_8 = arith.constant 0 : index
    %get3A_9 = arith.constant 0 : index
    %get3A_10 = vector.load %arg7[%get3A_8, %get3A_9] : memref<1x64xf32, #tpu.memory_space<vmem>>, vector<1x64xf32>
    %transpose3A_11 = tpu.transpose %get3A_10, [1, 0] : vector<1x64xf32> -> vector<64x1xf32>
    %get3A_12 = arith.constant 0 : index
    %get3A_13 = arith.constant 0 : index
    %get3A_14 = vector.load %arg2[%get3A_12, %get3A_13] : memref<128x64xf32, #tpu.memory_space<vmem>>, vector<128x64xf32>
    %transpose3A_15 = tpu.transpose %get3A_1, [1, 0] : vector<4x128xf32> -> vector<128x4xf32>
    %dot_general3A = arith.constant dense<0.000000e+00> : vector<64x4xf32>
    %dot_general3A_16 = tpu.matmul %get3A_14, %transpose3A_15, %dot_general3A {dimension_numbers = #tpu.dot_dimension_numbers<[0], [0], [1], [1], [0, 1, 1, 1], [], []>, precision = #tpu.contract_precision<fp32>, transpose_lhs_hint = false} : vector<128x64xf32>, vector<128x4xf32>, vector<64x4xf32> -> vector<64x4xf32>
    %get3A_17 = arith.constant 0 : index
    %get3A_18 = arith.constant 0 : index
    %get3A_19 = vector.load %arg3[%get3A_17, %get3A_18] : memref<128x64xf32, #tpu.memory_space<vmem>>, vector<128x64xf32>
    %transpose3A_20 = tpu.transpose %get3A_1, [1, 0] : vector<4x128xf32> -> vector<128x4xf32>
    %dot_general3A_21 = arith.constant dense<0.000000e+00> : vector<64x4xf32>
    %dot_general3A_22 = tpu.matmul %get3A_19, %transpose3A_20, %dot_general3A_21 {dimension_numbers = #tpu.dot_dimension_numbers<[0], [0], [1], [1], [0, 1, 1, 1], [], []>, precision = #tpu.contract_precision<fp32>, transpose_lhs_hint = false} : vector<128x64xf32>, vector<128x4xf32>, vector<64x4xf32> -> vector<64x4xf32>
    %add3A = vector.broadcast %transpose3A : vector<64x1xf32> to vector<64x4xf32>
    %add3A_23 = arith.addf %add3A, %dot_general3A_22 : vector<64x4xf32>
    %max3A = arith.constant 0.000000e+00 : f32
    %max3A_24 = vector.broadcast %max3A : f32 to vector<64x4xf32>
    %max3A_25 = arith.maximumf %add3A_23, %max3A_24 : vector<64x4xf32>
    %get3A_26 = arith.constant 0 : index
    %get3A_27 = arith.constant 0 : index
    %get3A_28 = vector.load %arg5[%get3A_26, %get3A_27] : memref<64x64xf32, #tpu.memory_space<vmem>>, vector<64x64xf32>
    %dot_general3A_29 = arith.constant dense<0.000000e+00> : vector<64x4xf32>
    %dot_general3A_30 = tpu.matmul %get3A_28, %max3A_25, %dot_general3A_29 {dimension_numbers = #tpu.dot_dimension_numbers<[0], [0], [1], [1], [0, 1, 1, 1], [], []>, precision = #tpu.contract_precision<fp32>, transpose_lhs_hint = false} : vector<64x64xf32>, vector<64x4xf32>, vector<64x4xf32> -> vector<64x4xf32>
    %get3A_31 = arith.constant 0 : index
    %get3A_32 = arith.constant 0 : index
    %get3A_33 = arith.constant 0 : index
    %get3A_34 = vector.load %arg10[%get3A_31, %get3A_32, %get3A_33] : memref<1x8x10240xf32, #tpu.memory_space<vmem>>, vector<1x1x10240xf32>
    %get3A_35 = vector.shape_cast %get3A_34 : vector<1x1x10240xf32> to vector<1x10240xf32>
    %get3A_36 = arith.constant 0 : index
    %get3A_37 = arith.constant 0 : index
    %get3A_38 = arith.constant 0 : index
    %get3A_39 = vector.load %arg11[%get3A_36, %get3A_37, %get3A_38] : memref<1x8x10240xf32, #tpu.memory_space<vmem>>, vector<1x1x10240xf32>
    %get3A_40 = vector.shape_cast %get3A_39 : vector<1x1x10240xf32> to vector<1x10240xf32>
    %add3A_41 = arith.addf %get3A_35, %get3A_40 : vector<1x10240xf32>
    %iota3A = tpu.iota {dimensions = array<i32: 1>} : vector<1x10240xi32>
    %lt3A = arith.constant 10000 : i32
    %lt3A_42 = vector.broadcast %lt3A : i32 to vector<1x10240xi32>
    %lt3A_43 = arith.cmpi slt, %iota3A, %lt3A_42 : vector<1x10240xi32>
    %convert_element_type3A = arith.extui %lt3A_43 : vector<1x10240xi1> to vector<1x10240xi32>
    %convert_element_type3A_44 = arith.sitofp %convert_element_type3A : vector<1x10240xi32> to vector<1x10240xf32>
    %slice3A = vector.extract_strided_slice %dot_general3A_16 {offsets = [0, 0], sizes = [64, 1], strides = [1, 1]} : vector<64x4xf32> to vector<64x1xf32>
    %mul3A = vector.broadcast %slice3A : vector<64x1xf32> to vector<64x10240xf32>
    %mul3A_45 = vector.broadcast %add3A_41 : vector<1x10240xf32> to vector<64x10240xf32>
    %mul3A_46 = arith.mulf %mul3A, %mul3A_45 : vector<64x10240xf32>
    %slice3A_47 = vector.extract_strided_slice %add3A_23 {offsets = [0, 2], sizes = [64, 1], strides = [1, 1]} : vector<64x4xf32> to vector<64x1xf32>
    %add3A_48 = vector.broadcast %slice3A_47 : vector<64x1xf32> to vector<64x10240xf32>
    %add3A_49 = arith.addf %mul3A_46, %add3A_48 : vector<64x10240xf32>
    %max3A_50 = arith.constant 0.000000e+00 : f32
    %max3A_51 = vector.broadcast %max3A_50 : f32 to vector<64x10240xf32>
    %max3A_52 = arith.maximumf %add3A_49, %max3A_51 : vector<64x10240xf32>
    %slice3A_53 = vector.extract_strided_slice %dot_general3A_16 {offsets = [0, 1], sizes = [64, 1], strides = [1, 1]} : vector<64x4xf32> to vector<64x1xf32>
    %mul3A_54 = vector.broadcast %slice3A_53 : vector<64x1xf32> to vector<64x10240xf32>
    %mul3A_55 = vector.broadcast %add3A_41 : vector<1x10240xf32> to vector<64x10240xf32>
    %mul3A_56 = arith.mulf %mul3A_54, %mul3A_55 : vector<64x10240xf32>
    %slice3A_57 = vector.extract_strided_slice %add3A_23 {offsets = [0, 3], sizes = [64, 1], strides = [1, 1]} : vector<64x4xf32> to vector<64x1xf32>
    %add3A_58 = vector.broadcast %slice3A_57 : vector<64x1xf32> to vector<64x10240xf32>
    %add3A_59 = arith.addf %mul3A_56, %add3A_58 : vector<64x10240xf32>
    %max3A_60 = arith.constant 0.000000e+00 : f32
    %max3A_61 = vector.broadcast %max3A_60 : f32 to vector<64x10240xf32>
    %max3A_62 = arith.maximumf %add3A_59, %max3A_61 : vector<64x10240xf32>
    %slice3A_63 = vector.extract_strided_slice %dot_general3A_30 {offsets = [0, 0], sizes = [64, 1], strides = [1, 1]} : vector<64x4xf32> to vector<64x1xf32>
    %mul3A_64 = vector.broadcast %slice3A_63 : vector<64x1xf32> to vector<64x10240xf32>
    %mul3A_65 = vector.broadcast %add3A_41 : vector<1x10240xf32> to vector<64x10240xf32>
    %mul3A_66 = arith.mulf %mul3A_64, %mul3A_65 : vector<64x10240xf32>
    %add3A_67 = vector.broadcast %transpose3A_11 : vector<64x1xf32> to vector<64x10240xf32>
    %add3A_68 = arith.addf %mul3A_66, %add3A_67 : vector<64x10240xf32>
    %dot_general3A_69 = arith.constant dense<0.000000e+00> : vector<64x10240xf32>
    %dot_general3A_70 = tpu.matmul %get3A_4, %max3A_52, %dot_general3A_69 {dimension_numbers = #tpu.dot_dimension_numbers<[0], [0], [1], [1], [0, 1, 1, 1], [], []>, precision = #tpu.contract_precision<fp32>, transpose_lhs_hint = false} : vector<64x64xf32>, vector<64x10240xf32>, vector<64x10240xf32> -> vector<64x10240xf32>
    %add3A_71 = arith.addf %add3A_68, %dot_general3A_70 : vector<64x10240xf32>
    %max3A_72 = arith.constant 0.000000e+00 : f32
    %max3A_73 = vector.broadcast %max3A_72 : f32 to vector<64x10240xf32>
    %max3A_74 = arith.maximumf %add3A_71, %max3A_73 : vector<64x10240xf32>
    %mul3A_75 = vector.broadcast %convert_element_type3A_44 : vector<1x10240xf32> to vector<64x10240xf32>
    %mul3A_76 = arith.mulf %max3A_74, %mul3A_75 : vector<64x10240xf32>
    %slice3A_77 = vector.extract_strided_slice %dot_general3A_30 {offsets = [0, 1], sizes = [64, 1], strides = [1, 1]} : vector<64x4xf32> to vector<64x1xf32>
    %mul3A_78 = vector.broadcast %slice3A_77 : vector<64x1xf32> to vector<64x10240xf32>
    %mul3A_79 = vector.broadcast %add3A_41 : vector<1x10240xf32> to vector<64x10240xf32>
    %mul3A_80 = arith.mulf %mul3A_78, %mul3A_79 : vector<64x10240xf32>
    %add3A_81 = vector.broadcast %transpose3A_11 : vector<64x1xf32> to vector<64x10240xf32>
    %add3A_82 = arith.addf %mul3A_80, %add3A_81 : vector<64x10240xf32>
    %dot_general3A_83 = arith.constant dense<0.000000e+00> : vector<64x10240xf32>
    %dot_general3A_84 = tpu.matmul %get3A_4, %max3A_62, %dot_general3A_83 {dimension_numbers = #tpu.dot_dimension_numbers<[0], [0], [1], [1], [0, 1, 1, 1], [], []>, precision = #tpu.contract_precision<fp32>, transpose_lhs_hint = false} : vector<64x64xf32>, vector<64x10240xf32>, vector<64x10240xf32> -> vector<64x10240xf32>
    %add3A_85 = arith.addf %add3A_82, %dot_general3A_84 : vector<64x10240xf32>
    %max3A_86 = arith.constant 0.000000e+00 : f32
    %max3A_87 = vector.broadcast %max3A_86 : f32 to vector<64x10240xf32>
    %max3A_88 = arith.maximumf %add3A_85, %max3A_87 : vector<64x10240xf32>
    %mul3A_89 = vector.broadcast %convert_element_type3A_44 : vector<1x10240xf32> to vector<64x10240xf32>
    %mul3A_90 = arith.mulf %max3A_88, %mul3A_89 : vector<64x10240xf32>
    %reduce_sum3A = arith.constant dense<0.000000e+00> : vector<64xf32>
    %reduce_sum3A_91 = vector.multi_reduction <add>, %mul3A_76, %reduce_sum3A [1] : vector<64x10240xf32> to vector<64xf32>
    %broadcast_in_dim3A = vector.shape_cast %reduce_sum3A_91 : vector<64xf32> to vector<64x1xf32>
    %reduce_sum3A_92 = arith.constant dense<0.000000e+00> : vector<64xf32>
    %reduce_sum3A_93 = vector.multi_reduction <add>, %mul3A_90, %reduce_sum3A_92 [1] : vector<64x10240xf32> to vector<64xf32>
    %broadcast_in_dim3A_94 = vector.shape_cast %reduce_sum3A_93 : vector<64xf32> to vector<64x1xf32>
    %concatenate3A = tpu.concatenate %broadcast_in_dim3A, %broadcast_in_dim3A_94 in 1 : vector<64x1xf32>, vector<64x1xf32> -> vector<64x2xf32>
    %mul3A_95 = arith.constant 9.99999974E-5 : f32
    %mul3A_96 = vector.broadcast %mul3A_95 : f32 to vector<64x2xf32>
    %mul3A_97 = arith.mulf %concatenate3A, %mul3A_96 : vector<64x2xf32>
    %slice3A_98 = vector.extract_strided_slice %max3A_25 {offsets = [0, 0], sizes = [64, 2], strides = [1, 1]} : vector<64x4xf32> to vector<64x2xf32>
    %dot_general3A_99 = arith.constant dense<0.000000e+00> : vector<64x2xf32>
    %dot_general3A_100 = tpu.matmul %get3A_4, %slice3A_98, %dot_general3A_99 {dimension_numbers = #tpu.dot_dimension_numbers<[0], [0], [1], [1], [0, 1, 1, 1], [], []>, precision = #tpu.contract_precision<fp32>, transpose_lhs_hint = false} : vector<64x64xf32>, vector<64x2xf32>, vector<64x2xf32> -> vector<64x2xf32>
    %add3A_101 = vector.broadcast %transpose3A_11 : vector<64x1xf32> to vector<64x2xf32>
    %add3A_102 = arith.addf %add3A_101, %dot_general3A_100 : vector<64x2xf32>
    %max3A_103 = arith.constant 0.000000e+00 : f32
    %max3A_104 = vector.broadcast %max3A_103 : f32 to vector<64x2xf32>
    %max3A_105 = arith.maximumf %add3A_102, %max3A_104 : vector<64x2xf32>
    %concatenate3A_106 = tpu.concatenate %max3A_105, %mul3A_97 in 1 : vector<64x2xf32>, vector<64x2xf32> -> vector<64x4xf32>
    %get3A_107 = arith.constant 0 : index
    %get3A_108 = arith.constant 0 : index
    %get3A_109 = vector.load %arg8[%get3A_107, %get3A_108] : memref<64x2xf32, #tpu.memory_space<vmem>>, vector<64x2xf32>
    %dot_general3A_110 = arith.constant dense<0.000000e+00> : vector<4x2xf32>
    %dot_general3A_111 = tpu.matmul %concatenate3A_106, %get3A_109, %dot_general3A_110 {dimension_numbers = #tpu.dot_dimension_numbers<[0], [0], [1], [1], [0, 1, 1, 1], [], []>, precision = #tpu.contract_precision<fp32>, transpose_lhs_hint = false} : vector<64x4xf32>, vector<64x2xf32>, vector<4x2xf32> -> vector<4x2xf32>
    %get3A_112 = arith.constant 0 : index
    %get3A_113 = arith.constant 0 : index
    %get3A_114 = vector.load %arg9[%get3A_112, %get3A_113] : memref<1x2xf32, #tpu.memory_space<vmem>>, vector<1x2xf32>
    %add3A_115 = vector.broadcast %get3A_114 : vector<1x2xf32> to vector<4x2xf32>
    %add3A_116 = arith.addf %dot_general3A_111, %add3A_115 : vector<4x2xf32>
    %swap3A = arith.constant 0 : index
    %swap3A_117 = arith.constant 0 : index
    %swap3A_118 = vector.load %arg12[%swap3A, %swap3A_117] : memref<4x2xf32, #tpu.memory_space<vmem>>, vector<4x2xf32>
    tpu.vector_store %arg12[%swap3A, %swap3A_117], %add3A_116 {strides = array<i32>} : memref<4x2xf32, #tpu.memory_space<vmem>>, vector<4x2xf32>,
    return
  }
  func.func @transform_0(%arg0: i32) -> (i32, i32) {
    %c0_i32 = arith.constant 0 : i32
    %c0_i32_0 = arith.constant 0 : i32
    %c0_i32_1 = arith.constant 0 : i32
    return %c0_i32, %c0_i32_0 : i32, i32
  }
  func.func @transform_1(%arg0: i32) -> (i32, i32) {
    %c0_i32 = arith.constant 0 : i32
    %c0_i32_0 = arith.constant 0 : i32
    %c0_i32_1 = arith.constant 0 : i32
    return %c0_i32, %c0_i32_0 : i32, i32
  }
  func.func @transform_2(%arg0: i32) -> (i32, i32) {
    %c0_i32 = arith.constant 0 : i32
    %c0_i32_0 = arith.constant 0 : i32
    %c0_i32_1 = arith.constant 0 : i32
    return %c0_i32, %c0_i32_0 : i32, i32
  }
  func.func @transform_3(%arg0: i32) -> (i32, i32) {
    %c0_i32 = arith.constant 0 : i32
    %c0_i32_0 = arith.constant 0 : i32
    %c0_i32_1 = arith.constant 0 : i32
    return %c0_i32, %c0_i32_0 : i32, i32
  }
  func.func @transform_4(%arg0: i32) -> (i32, i32) {
    %c0_i32 = arith.constant 0 : i32
    %c0_i32_0 = arith.constant 0 : i32
    %c0_i32_1 = arith.constant 0 : i32
    return %c0_i32, %c0_i32_0 : i32, i32
  }
  func.func @transform_5(%arg0: i32) -> (i32, i32) {
    %c0_i32 = arith.constant 0 : i32
    %c0_i32_0 = arith.constant 0 : i32
    %c0_i32_1 = arith.constant 0 : i32
    return %c0_i32, %c0_i32_0 : i32, i32
  }
  func.func @transform_6(%arg0: i32) -> (i32, i32) {
    %c0_i32 = arith.constant 0 : i32
    %c0_i32_0 = arith.constant 0 : i32
    %c0_i32_1 = arith.constant 0 : i32
    return %c0_i32, %c0_i32_0 : i32, i32
  }
  func.func @transform_7(%arg0: i32) -> (i32, i32) {
    %c0_i32 = arith.constant 0 : i32
    %c0_i32_0 = arith.constant 0 : i32
    %c0_i32_1 = arith.constant 0 : i32
    return %c0_i32, %c0_i32_0 : i32, i32
  }
  func.func @transform_8(%arg0: i32) -> (i32, i32) {
    %c0_i32 = arith.constant 0 : i32
    %c0_i32_0 = arith.constant 0 : i32
    %c0_i32_1 = arith.constant 0 : i32
    return %c0_i32, %c0_i32_0 : i32, i32
  }
  func.func @transform_9(%arg0: i32) -> (i32, i32, i32) {
    %c0_i32 = arith.constant 0 : i32
    %c0_i32_0 = arith.constant 0 : i32
    %c0_i32_1 = arith.constant 0 : i32
    %c0_i32_2 = arith.constant 0 : i32
    return %c0_i32, %c0_i32_0, %c0_i32_1 : i32, i32, i32
  }
  func.func @transform_10(%arg0: i32) -> (i32, i32, i32) {
    %c1_i32 = arith.constant 1 : i32
    %c0_i32 = arith.constant 0 : i32
    %c0_i32_0 = arith.constant 0 : i32
    %c0_i32_1 = arith.constant 0 : i32
    return %c1_i32, %c0_i32, %c0_i32_0 : i32, i32, i32
  }
  func.func @transform_11(%arg0: i32) -> (i32, i32) {
    %c0_i32 = arith.constant 0 : i32
    %c0_i32_0 = arith.constant 0 : i32
    %c0_i32_1 = arith.constant 0 : i32
    return %c0_i32, %c0_i32_0 : i32, i32
  }
}

</mosaic_0001>

<sc_bundles>
// kernel: kernel.4.cloned.1.call-start
scs
__scs_entry_jumppad:
0x0: {  	(pc) =	sbr.rel $0x88, $3  }
0x1: {  	(tag) =	ssettag $0x0;
	lr =	simm.s32 $0x1  }
0x2: {  	[smem:$0x3F97] =	sst lr;
	_ =	strace $0xD0000000  }
0x3: {  	_ = 	snop  }
0x4: {  	_ = 	snop  }
0x5: {  	_ = 	snop  }
0x6: {  	_ = 	snop  }
0x7: {  	_ = 	snop  }
__scs_overlays_trampoline_lowered:
0x8: {  	[smem:$0x3FA6] =	sst s0  }
0x9: {  	[smem:$0x3FA7] =	sst s1  }
0xa: {  	[smem:$0x3FA8] =	sst s2  }
0xb: {  	[smem:$0x3FA9] =	sst s3  }
0xc: {  	[smem:$0x3FAA] =	sst s4  }
0xd: {  	[smem:$0x3FAB] =	sst s5  }
0xe: {  	[smem:$0x3FAC] =	sst s6  }
0xf: {  	[smem:$0x3FAD] =	sst s7  }
0x10: {  	[smem:$0x3FAE] =	sst s8  }
0x11: {  	[smem:$0x3FAF] =	sst s9;
	s0 =	simm.s32 @!p0 $0x0  }
0x12: {  	s1 =	sld [smem:$0x3F95];
	s0 =	simm.s32 @p0 $0x1  }
0x13: {  	[smem:$0x3FB0] =	sst s0;
	s0 =	simm.s32 @!p1 $0x0  }
0x14: {  	s2 =	sld [smem:$0x3F94];
	s0 =	simm.s32 @p1 $0x1  }
0x15: {  	[smem:$0x3FB1] =	sst s0;
	s0 =	simm.s32 @!p2 $0x0  }
0x16: {  	s3 =	sld [smem:$0x3FDB];
	s0 =	simm.s32 @p2 $0x1  }
0x17: {  	s4 =	simm.s32 $0x1BF5;
	[smem:$0x3FB3] =	sst s0  }
0x18: {  	s0 =	sld [smem:$0x3F96];
	_ =	swait.ge [sflag:s4], $0x0  }
0x19: {  	s7 =	sld [smem:$0x3F97]  }
0x1a: {  	s8 =	sadd.s32 $0xFFFFE003, lr  }
0x1b: {  	s9 =	sadd.s32 $0xFFFFFEF7, lr;
	s5 =	simm.s32 $0xFFFFFFFF;
	p2 =	slt.u32 s8, $0xFFFFF086  }
0x1c: {  	p1 =	slt.u32 s9, $0xF7A;
	s5 =	simm.s32 @!p2 $0x0  }
0x1d: {  	s5 =	simm.s32 @p1 $0x1;
	p0 =	seq.s32 s7, s2  }
0x1e: {  	s7 =	smul.u32 @!p0 $0xF7A, s2;
	p2 =	seq.s32 @!p0 s5, $0x0  }
0x1f: {  	s9 =	smul.u32 $0xF7A, s1;
	s8 =	simm.s32 @!p0 $0x1BF5;
	p2 =	por !p2, p0  }
0x20: {  	[sflag:s8] =	ssyncset.s32 @!p0 $0xFFFFF086;
	s6 =	sadd.s32 @!p0 s3, s7;
	s7 =	simm.s32 @!p0 $0x108  }
0x21: {  	s3 =	sadd.s32 s3, s9;
	s6 =	sadd.s32 @!p0 $0x88, s6;
	s7 =	simm.s32 @p2 $0x1082  }
0x22: {  	[simem:s7], [sflag:s8] =	dma.local @!p0 [hbm:s6], $0xF7A  }
0x23: {  	s9 =	sor.u32 $0xD0000000, s2;
	s6 =	simm.s32 $0x108;
	_ =	swait.ge @!p0 [sflag:s8], $0x0  }
0x24: {  	s3 =	sadd.s32 $0x88, s3;
	s6 =	simm.s32 @!p1 $0x1082;
	[sflag:s4] =	ssyncset.s32 $0xFFFFF086  }
0x25: {  	[simem:s6], [sflag:s4] =	dma.local [hbm:s3], $0xF7A  }
0x26: {  	[smem:$0x3F97] =	sst s1;
	(tag) =	ssettag s2;
	_ =	strace s9  }
0x27: {  	s1 =	sld [smem:$0x3FA7]  }
0x28: {  	s2 =	sld [smem:$0x3FA8]  }
0x29: {  	s4 =	sld [smem:$0x3FAA]  }
0x2a: {  	p0 =	seq.s32 s5, $0x0;
	s5 =	sld [smem:$0x3FAB]  }
0x2b: {  	s6 =	sld [smem:$0x3FAC]  }
0x2c: {  	s7 =	sld [smem:$0x3FAD]  }
0x2d: {  	s3 =	simm.s32 $0x108;
	s8 =	sld [smem:$0x3FAE]  }
0x2e: {  	s3 =	simm.s32 @!p0 $0x1082;
	s9 =	sld [smem:$0x3FAF]  }
0x2f: {  	lr =	sadd.s32 s0, s3;
	s0 =	sld [smem:$0x3FA6]  }
0x30: {  	s3 =	sld [smem:$0x3FA9]  }
0x31: {  	[smem:$0x3FB2] =	sst s10  }
0x32: {  	s10 =	sld [smem:$0x3FB0];
	_ =	sdelay $0x3  }
0x33: {  	p0 =	seq.s32 s10, $0x1;
	s10 =	sld [smem:$0x3FB2];
	_ =	sdelay $0x3  }
0x34: {  	[smem:$0x3FB2] =	sst s10  }
0x35: {  	s10 =	sld [smem:$0x3FB1];
	_ =	sdelay $0x3  }
0x36: {  	p1 =	seq.s32 s10, $0x1;
	s10 =	sld [smem:$0x3FB2];
	_ =	sdelay $0x3  }
0x37: {  	[smem:$0x3FB2] =	sst s10  }
0x38: {  	s10 =	sld [smem:$0x3FB3]  }
0x39: {  	_ = 	snop;
	(pc) =	sbr.ind lr, $3  }
0x3a: {  	_ = 	snop  }
0x3b: {  	_ = 	snop  }
0x3c: {  	p2 =	seq.s32 s10, $0x1;
	s10 =	sld [smem:$0x3FB2]  }
0x3d: {  	_ =	shalt  }
0x3e: {  	_ =	shalt  }
0x3f: {  	_ =	shalt  }
0x40: {  	_ =	shalt  }
0x41: {  	_ =	shalt  }
0x42: {  	_ =	shalt  }
0x43: {  	_ =	shalt  }
0x44: {  	_ =	shalt  }
0x45: {  	_ =	shalt  }
0x46: {  	_ =	shalt  }
0x47: {  	_ =	shalt  }
0x48: {  	_ =	shalt  }
0x49: {  	_ =	shalt  }
0x4a: {  	_ =	shalt  }
0x4b: {  	_ =	shalt  }
0x4c: {  	_ =	shalt  }
0x4d: {  	_ =	shalt  }
0x4e: {  	_ =	shalt  }
0x4f: {  	_ =	shalt  }
0x50: {  	_ =	shalt  }
0x51: {  	_ =	shalt  }
0x52: {  	_ =	shalt  }
0x53: {  	_ =	shalt  }
0x54: {  	_ =	shalt  }
0x55: {  	_ =	shalt  }
0x56: {  	_ =	shalt  }
0x57: {  	_ =	shalt  }
0x58: {  	_ =	shalt  }
0x59: {  	_ =	shalt  }
0x5a: {  	_ =	shalt  }
0x5b: {  	_ =	shalt  }
0x5c: {  	_ =	shalt  }
0x5d: {  	_ =	shalt  }
0x5e: {  	_ =	shalt  }
0x5f: {  	_ =	shalt  }
0x60: {  	_ =	shalt  }
0x61: {  	_ =	shalt  }
0x62: {  	_ =	shalt  }
0x63: {  	_ =	shalt  }
0x64: {  	_ =	shalt  }
0x65: {  	_ =	shalt  }
0x66: {  	_ =	shalt  }
0x67: {  	_ =	shalt  }
0x68: {  	_ =	shalt  }
0x69: {  	_ =	shalt  }
0x6a: {  	_ =	shalt  }
0x6b: {  	_ =	shalt  }
0x6c: {  	_ =	shalt  }
0x6d: {  	_ =	shalt  }
0x6e: {  	_ =	shalt  }
0x6f: {  	_ =	shalt  }
0x70: {  	_ =	shalt  }
0x71: {  	_ =	shalt  }
0x72: {  	_ =	shalt  }
0x73: {  	_ =	shalt  }
0x74: {  	_ =	shalt  }
0x75: {  	_ =	shalt  }
0x76: {  	_ =	shalt  }
0x77: {  	_ =	shalt  }
0x78: {  	_ =	shalt  }
0x79: {  	_ =	shalt  }
0x7a: {  	_ =	shalt  }
0x7b: {  	_ =	shalt  }
0x7c: {  	_ =	shalt  }
0x7d: {  	_ =	shalt  }
0x7e: {  	_ =	shalt  }
0x7f: {  	_ =	shalt  }
0x80: {  	_ =	shalt  }
0x81: {  	_ =	shalt  }
0x82: {  	_ =	shalt  }
0x83: {  	_ =	shalt  }
0x84: {  	_ =	shalt  }
0x85: {  	_ =	shalt  }
0x86: {  	_ =	shalt  }
0x87: {  	_ =	shalt  }
.Lfunc_end0:
.L_simem_size_0:
called_computation_lowered:
.L_overlay_start_0:
0x88: {  	s2 =	sld [smem:$0x3FD9]  }
0x89: {  	s3 =	sld [smem:$0x3FFE];
	_ =	sdelay $0x1  }
0x8a: {  	s1 =	srdreg.scid  }
0x8b: {  	s0 =	sand.u32 $0x1, s1  }
0x8c: {  	s17 =	sshll.u32 s0, $0xA;
	s2 =	sadd.s32 s3, s2  }
0x8d: {  	s2 =	sadd.s32 s2, s17  }
0x8e: {  	[smem:$0x3FBE] =	sst s2  }
0x8f: {  	_ = 	snop  }
0x90: {  	s2 =	sld [smem:$0x3FC8];
	(tm) =	ssettm $0x1  }
0x91: {  	s18 =	sld [smem:$0x3FFB];
	_ =	sdelay $0x3  }
0x92: {  	_ =	strace s18  }
0x93: {  	s3 =	sld [smem:$0x3FFC];
	_ =	sdelay $0x3  }
0x94: {  	_ =	strace s3  }
0x95: {  	s3 =	sld [smem:$0x3FFD];
	_ =	sdelay $0x3  }
0x96: {  	_ =	strace s3  }
0x97: {  	_ =	strace $0x8FFFFFFF  }
0x98: {  	s19 =	sld [smem:$0x3FDB];
	_ =	sdelay $0x1  }
0x99: {  	s4 =	simm.s32 $_scs_section_size  }
0x9a: {  	s5 =	simm.s32 $_size__tile_overlayer_lowered;
	s6 =	simm.s32 $_tile_overlayer_lowered  }
0x9b: {  	s22 =	simm.s32 $0x1BFF;
	s21 =	sshll.u32 s6, $0x1;
	s3 =	sadd.s32 s4, s19  }
0x9c: {  	s7 =	simm.s32 $0x0;
	s20 =	sshll.u32 s5, $0x1;
	s5 =	sadd.s32 s21, s3  }
0x9d: {  	[timem:s7], [sflag:s22] =	dma.local [hbm:s5], s20  }
0x9e: {  	_ =	swait.ge [sflag:s22], s20  }
0x9f: {  	s4 =	ssub.s32 $0x0, s20;
	[sflag:s22] =	ssyncset.done $0x0  }
0xa0: {  	[sflag:s22] =	ssyncadd.s32 s4;
	_ =	sdelay $0x1  }
0xa1: {  	s23 =	simm.s32 $0x1B8B  }
0xa2: {  	_ =	swait.ge [sflag:s23], $0x1  }
0xa3: {  	[sflag:s23] =	ssyncset.done $0x0  }
0xa4: {  	s25 =	simm.s32 $0x1B8E;
	s24 =	sld [smem:$0x3FFE];
	[sflag:s23] =	ssyncadd.s32 $0xFFFFFFFF  }
0xa5: {  	s26 =	simm.s32 $execute0_lowered;
	[smem:$0x3FD2] =	sst s25  }
0xa6: {  	s5 =	sshll.u32 s26, $0x1;
	_ =	strace $0x80000046;
	[dreg:$0x1] =	wrdreg $0xFFFFFFFF  }
0xa7: {  	s28 =	simm.s32 $_size_execute0_lowered;
	s3 =	sadd.s32 s3, s5;
	[dreg:$0x0] =	wrdreg $0x0  }
0xa8: {  	s5 =	sshll.u32 s28, $0x1;
	[dreg:$0x2] =	wrdreg s3  }
0xa9: {  	[dreg:$0x3] =	wrdreg s5  }
0xaa: {  	[dreg:$0x4] =	wrdreg $0xC0  }
0xab: {  	_ =	task [dreg:s7], $0x5FFFF  }
0xac: {  	[dreg:$0x1] =	wrdreg $0xFFFFFFFF  }
0xad: {  	[dreg:$0x0] =	wrdreg $0x60  }
0xae: {  	[dreg:$0x2] =	wrdreg s2  }
0xaf: {  	[dreg:$0x3] =	wrdreg s24  }
0xb0: {  	[dreg:$0x4] =	wrdreg $0x55000  }
0xb1: {  	[dreg:$0x5] =	wrdreg $0x9  }
0xb2: {  	_ =	task.clear_ibuf [dreg:s7], $0x6FFFF;
	_ =	strace $0x90000046  }
0xb3: {  	s29 =	simm.s32 $0x9;
	_ =	strace $0x80000048  }
0xb4: {  	_ =	swait.ge [sflag:s29], $0x1  }
0xb5: {  	[sflag:s29] =	ssyncadd.s32 $0xFFFFFFFF  }
0xb6: {  	_ =	strace $0x90000048  }
0xb7: {  	_ =	sfence  }
0xb8: {  	s30 =	sld [smem:$0x0];
	_ =	sdelay $0x2  }
0xb9: {  	s31 =	sshll.u32 s1, $0xD;
	s1 =	sshrl.u32 s1, $0x2  }
0xba: {  	s3 =	sand.u32 $0x4000, s31;
	s1 =	sadd.s32 s1, s30  }
0xbb: {  	s0 =	sor.u32 s3, s0;
	s1 =	sshll.u32 s1, $0x11  }
0xbc: {  	s0 =	sor.u32 s1, s0  }
0xbd: {  	s0 =	sadd.s32 $0x8F2B, s0  }
0xbe: {  	[sflag:s0] =	ssyncadd.remote.s32 $0x1  }
0xbf: {  	_ =	sfence.sel $0xFFFF  }
0xc0: {  	[dreg:$0x0] =	wrdreg $0xFFFFFFFF;
	(pc) =	sbr.abs _section_cstart, $3  }
0xc1: {  	[dreg:$0x1] =	wrdreg $0xFFFFFFFF  }
0xc2: {  	_ =	task.clear_ibuf [dreg:s7], $0x2FFFF;
	_ =	strace $0x9FFFFFFF  }
0xc3: {  	(tm) =	ssettm $0x7FFFFFFF  }
tec
execute0_lowered:
.L_overlay_start_1:
0x0: {  	(tag) =	ssettag $0x1  }
0x1: {  	s4 =	rddreg [dreg:$0x0]  }
0x2: {  	s3 =	rddreg [dreg:$0x1]  }
0x3: {  	s0 =	srdreg.scid;
	s7 =	rddreg [dreg:$0x2]  }
0x4: {  	s1 =	rddreg [dreg:$0x3];
	s2 =	simm.s32 $0x0;
	s13 =	simm.s32 $0x2  }
0x5: {  	s14 =	simm.s32 $0x5280;
	s15 =	simm.s32 $0x5000;
	s5 =	sand.u32 $0x1, s0  }
0x6: {  	s16 =	simm.s32 $0x0;
	s0 =	stileid.u32;
	s6 =	smul.u32 $0x14000, s5  }
0x7: {  	[smem:$0x7FF] =	sst s2;
	s8 =	smul.u32 $0x1400, s0;
	s23 =	sshll.u32 s5, $0x4  }
0x8: {  	_ =	strace $0x80000047;
	s5 =	ssub.s32 $0x2, s5;
	s10 =	sshrl.u32 s0, $0x3  }
0x9: {  	s28 =	sshll.u32 s0, $0x5;
	s29 =	sshll.u32 s0, $0x7;
	s12 =	smul.u32 $0x5000, s0  }
0xa: {  	s9 =	sor.u32 s0, s23;
	s24 =	sshrl.u32 s5, $0x1;
	s25 =	smul.u32 $0x50000, s10  }
0xb: {  	s30 =	sand.u32 $0x380, s29;
	s10 =	simm.s32 $0x2800;
	s6 =	sadd.s32 s8, s6  }
0xc: {  	s8 =	smul.u32 $0x4E0, s9;
	s26 =	ssub.s32 s5, s24;
	s31 =	sshrl.u32 s12, $0x2  }
0xd: {  	p0 =	sgt.u32 s9, $0x1;
	s9 =	simm.s32 $0x1;
	s6 =	sshrl.u32 s6, $0x3  }
0xe: {  	s12 =	simm.s32 $0x400;
	s11 =	sadd.s32 s6, s3;
	s6 =	sshrl.u32 s25, $0x2  }
0xf: {  	s3 =	sadd.s32 s4, s8;
	s4 =	sadd.s32 s28, s4;
	s6 =	sadd.s32 s6, s7  }
0x10: {  	s8 =	smax.u32 s26, $0x1;
	s4 =	sadd.s32 $0x9C00, s4;
	s5 =	sadd.s32 s30, s6  }
0x11: {  	v0 =	vimm.f32 $0.0e+00;
	v1 =	vimm.f32 $1.000000000e+00;
	s6 =	sadd.s32 s31, s7;
	s7 =	sadd.s32 $0x1800, s11;
	s11 =	simm.s32 $0x80  }
.LBB2_1:
0x12: {  	[tilespmem:s2], [sflag:$0x1] =	stream.linear.gather [hbm4b:s3+s2], $0x2700, $0x38;
	[tilespmem:$0x7D00] =	vst v63  }
0x13: {  	s17 =	simm.s32 @!p0 $0x0;
	s18 =	simm.s32 @!p0 $0x2700  }
0x14: {  	[tilespmem:s18], [sflag:$0x2] =	stream.linear.gather @!p0 [hbm4b:s4+s17], $0x100, $0x38;
	[tilespmem:$0x7D00] =	vst v63  }
0x15: {  	s17 =	simm.s32 @!p0 $0x2  }
0x16: {  	_ =	swait.ge @!p0 [sflag:s17], $0x100  }
0x17: {  	[sflag:s17] =	ssyncset.done @!p0 $0x0  }
0x18: {  	[sflag:s17] =	ssyncadd.s32 @!p0 $0xFFFFFF00;
	s17 =	simm.s32 $0x2840  }
0x19: {  	[tilespmem:s17+$0xFFFFFFC0] =	vst v0  }
0x1a: {  	[tilespmem:s17+$0x30] =	vst v0  }
0x1b: {  	[tilespmem:s17+$0x20] =	vst v0  }
0x1c: {  	[tilespmem:s17+$0x10] =	vst v0  }
0x1d: {  	[tilespmem:s17+$0x0] =	vst v0  }
0x1e: {  	[tilespmem:s17+$0xFFFFFFF0] =	vst v0  }
0x1f: {  	s18 =	simm.s32 $0x0;
	[tilespmem:s17+$0xFFFFFFE0] =	vst v0  }
.LBB2_2:
0x20: {  	s18 =	sadd.s32 $0x8, s18;
	[tilespmem:s17+$0xFFFFFFD0] =	vst v0;
	s17 =	sadd.s32 $0x80, s17  }
0x21: {  	[tilespmem:s17+$0xFFFFFFC0] =	vst v0;
	p1 =	slt.u32 s18, $0x278  }
0x22: {  	[tilespmem:s17+$0x30] =	vst v0  }
.Ltmp0:
0x23: {  	[tilespmem:s17+$0x20] =	vst v0;
	(pc) =	sbr.rel @p1 .LBB2_2-.Ltmp0, $4  }
0x24: {  	[tilespmem:s17+$0x10] =	vst v0  }
0x25: {  	[tilespmem:s17+$0x0] =	vst v0  }
0x26: {  	[tilespmem:s17+$0xFFFFFFF0] =	vst v0  }
0x27: {  	[tilespmem:s17+$0xFFFFFFE0] =	vst v0  }
0x28: {  	[tilespmem:s17+$0xFFFFFFD0] =	vst v0  }
0x29: {  	s17 =	simm.s32 $0xFFFFFFFC;
	_ =	swait.ge [sflag:s9], $0x2700  }
0x2a: {  	s18 =	simm.s32 $0x0;
	s19 =	simm.s32 $0x0;
	[sflag:s9] =	ssyncset.done $0x0  }
0x2b: {  	s20 =	simm.s32 $0x0;
	s21 =	simm.s32 $0xFFFFFFFC;
	[sflag:s9] =	ssyncadd.s32 $0xFFFFD900  }
.LBB2_4:
0x2c: {  	s22 =	sand.u32 $0x40, s19;
	s23 =	sand.u32 $0x3F00, s20  }
0x2d: {  	s22 =	sor.u32 s22, s23  }
0x2e: {  	v2 =	vld [tilespmem:s22+$0x0];
	_ =	sdelay $0x7  }
0x2f: {  	[tilespmem:v2+s10+$0x0] =	vst.idx.add.f32.msk $0xffff, v1  }
0x30: {  	v2 =	vld [tilespmem:s22+$0x10];
	_ =	sdelay $0x7  }
0x31: {  	[tilespmem:v2+s10+$0x0] =	vst.idx.add.f32.msk $0xffff, v1  }
0x32: {  	v2 =	vld [tilespmem:s22+$0x20];
	_ =	sdelay $0x7  }
0x33: {  	[tilespmem:v2+s10+$0x0] =	vst.idx.add.f32.msk $0xffff, v1  }
0x34: {  	v2 =	vld [tilespmem:s22+$0x30];
	_ =	sdelay $0x1  }
0x35: {  	s21 =	sadd.s32 $0x4, s21  }
0x36: {  	p2 =	slt.u32 s21, $0x134  }
.Ltmp1:
0x37: {  	_ = 	snop;
	(pc) =	sbr.rel @p2 .LBB2_4-.Ltmp1, $2  }
0x38: {  	_ =	sdelay $0x2  }
0x39: {  	s20 =	sadd.s32 $0x80, s20;
	s19 =	sadd.s32 $0x40, s19;
	p1 =	por $0x0, $0x0;
	[tilespmem:v2+s10+$0x0] =	vst.idx.add.f32.msk $0xffff, v1  }
.LBB2_5:
0x3a: {  	s19 =	simm.s32 $0x1  }
0x3b: {  	s19 =	simm.s32 @!p1 $0x0  }
0x3c: {  	s19 =	sshll.u32 s19, $0x6  }
0x3d: {  	s19 =	sadd.s32 s19, s18  }
0x3e: {  	s20 =	sor.u32 $0x80, s19  }
0x3f: {  	v2 =	vld [tilespmem:s20+$0x0];
	_ =	sdelay $0x7  }
0x40: {  	s30 =	sor.u32 $0x90, s19;
	[tilespmem:v2+s10+$0x0] =	vst.idx.add.f32.msk $0xffff, v1  }
0x41: {  	v2 =	vld [tilespmem:s30+$0x0];
	_ =	sdelay $0x7  }
0x42: {  	s31 =	sor.u32 $0xA0, s19;
	[tilespmem:v2+s10+$0x0] =	vst.idx.add.f32.msk $0xffff, v1  }
0x43: {  	v2 =	vld [tilespmem:s31+$0x0];
	_ =	sdelay $0x7  }
0x44: {  	s19 =	sor.u32 $0xB0, s19;
	[tilespmem:v2+s10+$0x0] =	vst.idx.add.f32.msk $0xffff, v1  }
0x45: {  	v2 =	vld [tilespmem:s19+$0x0];
	_ =	sdelay $0x1  }
0x46: {  	s17 =	sadd.s32 $0x4, s17  }
0x47: {  	p2 =	slt.u32 s17, $0x134  }
.Ltmp2:
0x48: {  	_ = 	snop;
	(pc) =	sbr.rel @p2 .LBB2_5-.Ltmp2, $2  }
0x49: {  	_ =	sdelay $0x2  }
0x4a: {  	p1 =	por !p1, !p1;
	s18 =	sadd.s32 $0x80, s18;
	[tilespmem:v2+s10+$0x0] =	vst.idx.add.f32.msk $0xffff, v1  }
0x4b: {  	v2 =	vld @!p0 [tilespmem:$0x2700];
	_ =	sdelay $0x6  }
0x4c: {  	v3 =	vimm.f32 @!p0 $1.000000000e+00;
	s17 =	simm.s32 @!p0 $0x2800  }
0x4d: {  	[tilespmem:v2+s17+$0x0] =	vst.idx.add.f32.msk @!p0 $0xffff, v3  }
0x4e: {  	v2 =	vld @!p0 [tilespmem:$0x2710];
	_ =	sdelay $0x7  }
0x4f: {  	[tilespmem:v2+s17+$0x0] =	vst.idx.add.f32.msk @!p0 $0xffff, v3  }
0x50: {  	v2 =	vld @!p0 [tilespmem:$0x2720];
	_ =	sdelay $0x7  }
0x51: {  	[tilespmem:v2+s17+$0x0] =	vst.idx.add.f32.msk @!p0 $0xffff, v3  }
0x52: {  	v2 =	vld @!p0 [tilespmem:$0x2730];
	_ =	sdelay $0x7  }
0x53: {  	[tilespmem:v2+s17+$0x0] =	vst.idx.add.f32.msk @!p0 $0xffff, v3  }
0x54: {  	v2 =	vld @!p0 [tilespmem:$0x2740];
	_ =	sdelay $0x7  }
0x55: {  	[tilespmem:v2+s17+$0x0] =	vst.idx.add.f32.msk @!p0 $0xffff, v3  }
0x56: {  	v2 =	vld @!p0 [tilespmem:$0x2750];
	_ =	sdelay $0x7  }
0x57: {  	[tilespmem:v2+s17+$0x0] =	vst.idx.add.f32.msk @!p0 $0xffff, v3  }
0x58: {  	v2 =	vld @!p0 [tilespmem:$0x2760];
	_ =	sdelay $0x7  }
0x59: {  	[tilespmem:v2+s17+$0x0] =	vst.idx.add.f32.msk @!p0 $0xffff, v3  }
0x5a: {  	v2 =	vld @!p0 [tilespmem:$0x2770];
	_ =	sdelay $0x7  }
0x5b: {  	[tilespmem:v2+s17+$0x0] =	vst.idx.add.f32.msk @!p0 $0xffff, v3  }
0x5c: {  	v2 =	vld @!p0 [tilespmem:$0x2780];
	_ =	sdelay $0x7  }
0x5d: {  	[tilespmem:v2+s17+$0x0] =	vst.idx.add.f32.msk @!p0 $0xffff, v3  }
0x5e: {  	v2 =	vld @!p0 [tilespmem:$0x2790];
	_ =	sdelay $0x7  }
0x5f: {  	[tilespmem:v2+s17+$0x0] =	vst.idx.add.f32.msk @!p0 $0xffff, v3  }
0x60: {  	v2 =	vld @!p0 [tilespmem:$0x27A0];
	_ =	sdelay $0x7  }
0x61: {  	[tilespmem:v2+s17+$0x0] =	vst.idx.add.f32.msk @!p0 $0xffff, v3  }
0x62: {  	v2 =	vld @!p0 [tilespmem:$0x27B0];
	_ =	sdelay $0x7  }
0x63: {  	[tilespmem:v2+s17+$0x0] =	vst.idx.add.f32.msk @!p0 $0xffff, v3  }
0x64: {  	v2 =	vld @!p0 [tilespmem:$0x27C0];
	_ =	sdelay $0x7  }
0x65: {  	[tilespmem:v2+s17+$0x0] =	vst.idx.add.f32.msk @!p0 $0xffff, v3  }
0x66: {  	v2 =	vld @!p0 [tilespmem:$0x27D0];
	_ =	sdelay $0x7  }
0x67: {  	[tilespmem:v2+s17+$0x0] =	vst.idx.add.f32.msk @!p0 $0xffff, v3  }
0x68: {  	v2 =	vld @!p0 [tilespmem:$0x27E0];
	_ =	sdelay $0x7  }
0x69: {  	[tilespmem:v2+s17+$0x0] =	vst.idx.add.f32.msk @!p0 $0xffff, v3  }
0x6a: {  	v2 =	vld @!p0 [tilespmem:$0x27F0];
	_ =	sdelay $0x7  }
0x6b: {  	[tilespmem:v2+s17+$0x0] =	vst.idx.add.f32.msk @!p0 $0xffff, v3  }
0x6c: {  	[spmem:s5] =	stream.strided.scatter [tilespmem:s10], [sflag:$0x2], $0x2800, s12, s11, $0x38;
	[tilespmem:$0x7D00] =	vst v63  }
0x6d: {  	_ =	swait.ge [sflag:s13], $0x2800  }
0x6e: {  	[sflag:s13] =	ssyncset.done $0x0  }
0x6f: {  	[sflag:s13] =	ssyncadd.s32 $0xFFFFD800  }
0x70: {  	[bflag:$0x0] =	sbarrier.arrive $0xFFFF  }
0x71: {  	[tilespmem:$0x5000] =	vst v0  }
0x72: {  	[tilespmem:$0x5010] =	vst v0  }
0x73: {  	[tilespmem:$0x5020] =	vst v0  }
0x74: {  	[tilespmem:$0x5030] =	vst v0  }
0x75: {  	[tilespmem:$0x5040] =	vst v0  }
0x76: {  	[tilespmem:$0x5050] =	vst v0  }
0x77: {  	[tilespmem:$0x5060] =	vst v0  }
0x78: {  	[tilespmem:$0x5070] =	vst v0  }
0x79: {  	[tilespmem:$0x5080] =	vst v0  }
0x7a: {  	[tilespmem:$0x5090] =	vst v0  }
0x7b: {  	[tilespmem:$0x50A0] =	vst v0  }
0x7c: {  	[tilespmem:$0x50B0] =	vst v0  }
0x7d: {  	[tilespmem:$0x50C0] =	vst v0  }
0x7e: {  	[tilespmem:$0x50D0] =	vst v0  }
0x7f: {  	[tilespmem:$0x50E0] =	vst v0  }
0x80: {  	[tilespmem:$0x50F0] =	vst v0  }
0x81: {  	[tilespmem:$0x5100] =	vst v0  }
0x82: {  	[tilespmem:$0x5110] =	vst v0  }
0x83: {  	[tilespmem:$0x5120] =	vst v0  }
0x84: {  	[tilespmem:$0x5130] =	vst v0  }
0x85: {  	[tilespmem:$0x5140] =	vst v0  }
0x86: {  	[tilespmem:$0x5150] =	vst v0  }
0x87: {  	[tilespmem:$0x5160] =	vst v0  }
0x88: {  	[tilespmem:$0x5170] =	vst v0  }
0x89: {  	[tilespmem:$0x5180] =	vst v0  }
0x8a: {  	[tilespmem:$0x5190] =	vst v0  }
0x8b: {  	[tilespmem:$0x51A0] =	vst v0  }
0x8c: {  	[tilespmem:$0x51B0] =	vst v0  }
0x8d: {  	[tilespmem:$0x51C0] =	vst v0  }
0x8e: {  	[tilespmem:$0x51D0] =	vst v0  }
0x8f: {  	[tilespmem:$0x51E0] =	vst v0  }
0x90: {  	[tilespmem:$0x51F0] =	vst v0  }
0x91: {  	[tilespmem:$0x5200] =	vst v0  }
0x92: {  	[tilespmem:$0x5210] =	vst v0  }
0x93: {  	[tilespmem:$0x5220] =	vst v0  }
0x94: {  	[tilespmem:$0x5230] =	vst v0  }
0x95: {  	[tilespmem:$0x5240] =	vst v0  }
0x96: {  	[tilespmem:$0x5250] =	vst v0  }
0x97: {  	[tilespmem:$0x5260] =	vst v0  }
0x98: {  	s18 =	simm.s32 $0x0;
	s17 =	simm.s32 $0x0;
	[tilespmem:$0x5270] =	vst v0  }
.LBB2_7:
0x99: {  	s19 =	sshrl.u32 s18, $0x3  }
0x9a: {  	s19 =	smul.u32 $0x50000, s19;
	_ =	sdelay $0x1  }
0x9b: {  	s19 =	sshra.s32 s19, $0x2  }
0x9c: {  	s20 =	sand.u32 $0x380, s17;
	s19 =	sadd.s32 s19, s6  }
0x9d: {  	s19 =	sadd.s32 s20, s19  }
0x9e: {  	[tilespmem:s14], [sflag:$0x2] =	stream.strided.gather [spmem:s19], $0x280, s12, s11, $0x38;
	[tilespmem:$0x7D00] =	vst v63  }
0x9f: {  	_ =	swait.ge [sflag:s13], $0x280  }
0xa0: {  	[sflag:s13] =	ssyncset.done $0x0  }
0xa1: {  	[sflag:s13] =	ssyncadd.s32 $0xFFFFFD80  }
0xa2: {  	v2 =	vld [tilespmem:$0x5000]  }
0xa3: {  	v3 =	vld [tilespmem:$0x5280]  }
0xa4: {  	v4 =	vld [tilespmem:$0x5010]  }
0xa5: {  	v5 =	vld [tilespmem:$0x5290]  }
0xa6: {  	v6 =	vld [tilespmem:$0x5020]  }
0xa7: {  	v7 =	vld [tilespmem:$0x52A0]  }
0xa8: {  	v8 =	vld [tilespmem:$0x5030]  }
0xa9: {  	v9 =	vld [tilespmem:$0x52B0]  }
0xaa: {  	v10 =	vld [tilespmem:$0x5040]  }
0xab: {  	v11 =	vld [tilespmem:$0x52C0]  }
0xac: {  	v12 =	vld [tilespmem:$0x5050]  }
0xad: {  	v13 =	vld [tilespmem:$0x52D0]  }
0xae: {  	v14 =	vld [tilespmem:$0x5060]  }
0xaf: {  	v15 =	vld [tilespmem:$0x52E0]  }
0xb0: {  	v16 =	vld [tilespmem:$0x5070]  }
0xb1: {  	v17 =	vld [tilespmem:$0x52F0]  }
0xb2: {  	v18 =	vld [tilespmem:$0x5080]  }
0xb3: {  	v19 =	vld [tilespmem:$0x5300]  }
0xb4: {  	v20 =	vld [tilespmem:$0x5090]  }
0xb5: {  	v21 =	vld [tilespmem:$0x5310]  }
0xb6: {  	v22 =	vld [tilespmem:$0x50A0]  }
0xb7: {  	v23 =	vld [tilespmem:$0x5320]  }
0xb8: {  	v24 =	vld [tilespmem:$0x50B0]  }
0xb9: {  	v25 =	vld [tilespmem:$0x5330]  }
0xba: {  	v26 =	vld [tilespmem:$0x50C0]  }
0xbb: {  	v27 =	vld [tilespmem:$0x5340]  }
0xbc: {  	v28 =	vld [tilespmem:$0x50D0]  }
0xbd: {  	v29 =	vld [tilespmem:$0x5350]  }
0xbe: {  	v30 =	vld [tilespmem:$0x50E0]  }
0xbf: {  	v31 =	vld [tilespmem:$0x5360]  }
0xc0: {  	v32 =	vld [tilespmem:$0x50F0]  }
0xc1: {  	v33 =	vld [tilespmem:$0x5370]  }
0xc2: {  	v34 =	vld [tilespmem:$0x5100]  }
0xc3: {  	v35 =	vld [tilespmem:$0x5380]  }
0xc4: {  	v36 =	vld [tilespmem:$0x5110]  }
0xc5: {  	v37 =	vld [tilespmem:$0x5390]  }
0xc6: {  	v38 =	vld [tilespmem:$0x5120]  }
0xc7: {  	v39 =	vld [tilespmem:$0x53A0]  }
0xc8: {  	v40 =	vld [tilespmem:$0x5130]  }
0xc9: {  	v41 =	vld [tilespmem:$0x53B0]  }
0xca: {  	v42 =	vld [tilespmem:$0x5140]  }
0xcb: {  	v43 =	vld [tilespmem:$0x53C0]  }
0xcc: {  	v44 =	vld [tilespmem:$0x5150]  }
0xcd: {  	v45 =	vld [tilespmem:$0x53D0]  }
0xce: {  	v46 =	vld [tilespmem:$0x5160]  }
0xcf: {  	v47 =	vld [tilespmem:$0x5170];
	v2 =	vadd.f32 v3, v2  }
0xd0: {  	v48 =	vld [tilespmem:$0x53F0];
	v4 =	vadd.f32 v5, v4  }
0xd1: {  	v50 =	vld [tilespmem:$0x5180];
	[tilespmem:$0x5000] =	vst v2;
	v2 =	vadd.f32 v7, v6  }
0xd2: {  	v51 =	vld [tilespmem:$0x5400];
	v49 =	vadd.f32 v9, v8;
	[tilespmem:$0x5010] =	vst v4  }
0xd3: {  	v53 =	vld [tilespmem:$0x5190];
	[tilespmem:$0x5020] =	vst v2;
	v2 =	vadd.f32 v11, v10  }
0xd4: {  	v54 =	vld [tilespmem:$0x5410];
	v52 =	vadd.f32 v13, v12;
	[tilespmem:$0x5030] =	vst v49  }
0xd5: {  	v56 =	vld [tilespmem:$0x51A0];
	[tilespmem:$0x5040] =	vst v2;
	v2 =	vadd.f32 v15, v14  }
0xd6: {  	v57 =	vld [tilespmem:$0x5420];
	v55 =	vadd.f32 v17, v16;
	[tilespmem:$0x5050] =	vst v52  }
0xd7: {  	v59 =	vld [tilespmem:$0x51B0];
	[tilespmem:$0x5060] =	vst v2;
	v2 =	vadd.f32 v19, v18  }
0xd8: {  	v60 =	vld [tilespmem:$0x5430];
	v58 =	vadd.f32 v21, v20;
	[tilespmem:$0x5070] =	vst v55  }
0xd9: {  	v62 =	vld [tilespmem:$0x51C0];
	[tilespmem:$0x5080] =	vst v2;
	v2 =	vadd.f32 v23, v22  }
0xda: {  	v63 =	vld [tilespmem:$0x5440];
	v61 =	vadd.f32 v25, v24;
	[tilespmem:$0x5090] =	vst v58  }
0xdb: {  	v3 =	vld [tilespmem:$0x53E0];
	[tilespmem:$0x50A0] =	vst v2;
	v2 =	vadd.f32 v27, v26  }
0xdc: {  	v28 =	vadd.f32 v29, v28;
	v29 =	vld [tilespmem:$0x51D0];
	[tilespmem:$0x50B0] =	vst v61  }
0xdd: {  	v32 =	vadd.f32 v33, v32;
	v33 =	vld [tilespmem:$0x51E0];
	[tilespmem:$0x50C0] =	vst v2;
	v2 =	vadd.f32 v31, v30  }
0xde: {  	v36 =	vadd.f32 v37, v36;
	v37 =	vld [tilespmem:$0x51F0];
	[tilespmem:$0x50D0] =	vst v28  }
0xdf: {  	v40 =	vadd.f32 v41, v40;
	v41 =	vld [tilespmem:$0x5200];
	[tilespmem:$0x50E0] =	vst v2;
	v2 =	vadd.f32 v35, v34  }
0xe0: {  	v44 =	vadd.f32 v45, v44;
	v45 =	vld [tilespmem:$0x5210];
	[tilespmem:$0x50F0] =	vst v32  }
0xe1: {  	v47 =	vadd.f32 v48, v47;
	v48 =	vld [tilespmem:$0x5220];
	[tilespmem:$0x5100] =	vst v2;
	v2 =	vadd.f32 v39, v38  }
0xe2: {  	[tilespmem:$0x5110] =	vst v36;
	v49 =	vld [tilespmem:$0x54A0]  }
0xe3: {  	v52 =	vld [tilespmem:$0x54B0];
	[tilespmem:$0x5120] =	vst v2;
	v2 =	vadd.f32 v43, v42  }
0xe4: {  	[tilespmem:$0x5130] =	vst v40;
	v55 =	vld [tilespmem:$0x54C0]  }
0xe5: {  	v58 =	vld [tilespmem:$0x54D0];
	[tilespmem:$0x5140] =	vst v2;
	v2 =	vadd.f32 v3, v46  }
0xe6: {  	[tilespmem:$0x5150] =	vst v44;
	v39 =	vld [tilespmem:$0x5470]  }
0xe7: {  	v61 =	vld [tilespmem:$0x54E0];
	[tilespmem:$0x5160] =	vst v2;
	v2 =	vadd.f32 v51, v50  }
0xe8: {  	[tilespmem:$0x5170] =	vst v47;
	v31 =	vld [tilespmem:$0x5450];
	v50 =	vadd.f32 v54, v53  }
0xe9: {  	v35 =	vld [tilespmem:$0x5460];
	v53 =	vadd.f32 v60, v59;
	[tilespmem:$0x5180] =	vst v2  }
0xea: {  	v3 =	vld [tilespmem:$0x5490];
	v2 =	vadd.f32 v57, v56;
	[tilespmem:$0x5190] =	vst v50  }
0xeb: {  	v43 =	vld [tilespmem:$0x5480];
	v59 =	vadd.f32 v39, v37;
	[tilespmem:$0x51B0] =	vst v53  }
0xec: {  	v51 =	vld [tilespmem:$0x5230];
	[tilespmem:$0x51A0] =	vst v2;
	v2 =	vadd.f32 v63, v62  }
0xed: {  	v54 =	vld [tilespmem:$0x5240];
	v56 =	vadd.f32 v31, v29;
	[tilespmem:$0x51F0] =	vst v59  }
0xee: {  	v57 =	vld [tilespmem:$0x5250];
	[tilespmem:$0x51C0] =	vst v2;
	v2 =	vadd.f32 v35, v33  }
0xef: {  	v3 =	vadd.f32 v3, v45;
	[tilespmem:$0x51D0] =	vst v56;
	v62 =	vld [tilespmem:$0x5270]  }
0xf0: {  	v63 =	vld [tilespmem:$0x54F0];
	[tilespmem:$0x51E0] =	vst v2;
	v2 =	vadd.f32 v43, v41  }
0xf1: {  	v60 =	vld [tilespmem:$0x5260];
	[tilespmem:$0x5210] =	vst v3;
	v3 =	vadd.f32 v52, v51  }
0xf2: {  	[tilespmem:$0x5200] =	vst v2;
	v2 =	vadd.f32 v49, v48  }
0xf3: {  	p1 =	sne.s32 s18, $0xF;
	[tilespmem:$0x5230] =	vst v3;
	v3 =	vadd.f32 v58, v57  }
.Ltmp3:
0xf4: {  	[tilespmem:$0x5220] =	vst v2;
	v2 =	vadd.f32 v55, v54;
	(pc) =	sbr.rel @p1 .LBB2_7-.Ltmp3, $4  }
0xf5: {  	[tilespmem:$0x5250] =	vst v3;
	v3 =	vadd.f32 v63, v62  }
0xf6: {  	[tilespmem:$0x5240] =	vst v2;
	v2 =	vadd.f32 v61, v60  }
0xf7: {  	[tilespmem:$0x5270] =	vst v3  }
0xf8: {  	s17 =	sadd.s32 $0x80, s17;
	s18 =	sadd.s32 $0x1, s18;
	[tilespmem:$0x5260] =	vst v2  }
0xf9: {  	s16 =	sadd.s32 $0x1, s16  }
0xfa: {  	p1 =	sne.s32 s16, s8  }
.Ltmp4:
0xfb: {  	_ = 	snop;
	(pc) =	sbr.rel @p1 .LBB2_1-.Ltmp4, $4  }
0xfc: {  	[hbm4b:s7+s11] =	stream.strided.scatter [tilespmem:s15], [sflag:$0x2], $0x280, s12, s11, $0x38;
	[tilespmem:$0x7D00] =	vst v63  }
0xfd: {  	_ =	swait.ge [sflag:s13], $0x280  }
0xfe: {  	[sflag:s13] =	ssyncset.done $0x0  }
0xff: {  	[sflag:s13] =	ssyncadd.s32 $0xFFFFFD80  }
0x100: {  	_ =	sfence.sel $0x180000  }
0x101: {  	[bflag:$0x0] =	sbarrier.arrive $0xFFFF  }
0x102: {  	p0 =	sne.s32 s0, $0x0;
	_ =	strace $0x90000047  }
0x103: {  	s0 =	sadd.s32 @!p0 $0x100000, s1;
	[bflag:$0x2] =	sbarrier.arrive $0xFFFF  }
0x104: {  	[sflag:s0] =	ssyncadd.tile.s32 @!p0 $0x1;
	_ =	shalt  }
.Lfunc_end2:
_tile_overlayer_lowered:
.L_overlay_start_2:
0x105: {  	(tag) =	ssettag $0x2  }
0x106: {  	s0 =	rddreg [dreg:$0x0];
	s2 =	stileid.u32  }
0x107: {  	s1 =	rddreg [dreg:$0x1];
	p0 =	sne.s32 s2, $0x0  }
0x108: {  	s3 =	rddreg [dreg:$0x2];
	[bflag:$0x3] =	sbarrier.arrive $0xFFFF;
	s2 =	simm.s32 @!p0 $0x1C02  }
0x109: {  	[timem:s3], [sflag:s2] =	dma.local @!p0 [hbm:s0], s1  }
0x10a: {  	s0 =	simm.s32 @!p0 $0x2  }
0x10b: {  	_ =	swait.ge @!p0 [sflag:s0], s1  }
0x10c: {  	s1 =	ssub.s32 @!p0 $0x0, s1;
	[sflag:s0] =	ssyncset.done @!p0 $0x0  }
0x10d: {  	[sflag:s0] =	ssyncadd.s32 @!p0 s1  }
0x10e: {  	[bflag:$0x3] =	sbarrier.arrive $0xFFFF  }
0x10f: {  	_ =	shalt  }

</sc_bundles>
